<compile_context>
chip_gen: v7x
topology: tpu7x:2x2x1
jax: 0.10.2.dev20260603
libtpu: 0.0.44.dev20260713+nightly
codegen_flags: <defaults>
</compile_context>

<pallas_src>
import functools

import jax
import jax.numpy as jnp
from jax import lax
from jax.experimental import pallas as pl
from jax.experimental.pallas import tpu as pltpu
from jax.experimental.pallas import tpu_sc as plsc

NCLS = 19
HW = 512 * 512
NBINS = 368

ROWS = 256


def _argmax_body(p_ref, t_ref, o_ref):
    m = p_ref[0, 0]
    pred = jnp.zeros((ROWS, 512), jnp.int32)
    for c in range(1, NCLS):
        xc = p_ref[0, c]
        gt = xc > m
        m = jnp.where(gt, xc, m)
        pred = jnp.where(gt, c, pred)
    lbl = t_ref[0]
    valid = (lbl >= 0) & (lbl < NCLS)
    idx = jnp.where(valid, lbl * NCLS + pred, NCLS * NCLS)
    o_ref[...] = idx.reshape(ROWS * 4, 128)


def _argmax_idx(preds, target, b0, nb):
    _, _, h, w = preds.shape
    nj = h // ROWS
    return pl.pallas_call(
        _argmax_body,
        grid=(nb, nj),
        in_specs=[
            pl.BlockSpec((1, NCLS, ROWS, w), lambda i, j: (b0 + i, 0, j, 0)),
            pl.BlockSpec((1, ROWS, w), lambda i, j: (b0 + i, j, 0)),
        ],
        out_specs=pl.BlockSpec((ROWS * 4, 128), lambda i, j: (i * nj + j, 0)),
        out_shape=jax.ShapeDtypeStruct((nb * h * w // 128, 128), jnp.int32),
        compiler_params=pltpu.CompilerParams(
            dimension_semantics=("parallel", "parallel")),
    )(preds, target)


def _make_sc_body(nimg):
    epw = nimg * HW // 32
    wpi = 32 // nimg
    ipc = nimg // 2

    nch = 4
    crows = epw // 128 // nch

    def body(idx_hbm, out_hbm, idx_a, idx_b, hist_v, red_v, part_v, out_v,
             shared, sem_a, sem_b):
        cid = lax.axis_index("c")
        sid = lax.axis_index("s")
        wid = cid * 16 + sid
        base = wid * epw // 128
        bufs = [idx_a, idx_b]
        sems = [sem_a, sem_b]

        h = pltpu.async_copy(
            idx_hbm.at[pl.ds(pl.multiple_of(base, 8), crows)], idx_a, sem_a)

        zeros16 = jnp.zeros((16,), jnp.float32)

        def zbody(i, carry):
            hist_v[pl.ds(i * 16, 16)] = zeros16
            return carry

        lax.fori_loop(0, NBINS, zbody, 0, unroll=8)

        lane_base = lax.iota(jnp.int32, 16) * NBINS
        ones16 = jnp.ones((16,), jnp.float32)

        def scatter_chunk(buf):
            def sbody(i, carry):
                vs = [buf[i * 2 + rr, pl.ds(k * 16, 16)]
                      for rr in range(2) for k in range(8)]
                ts = [lane_base + v for v in vs]
                for t in ts:
                    plsc.addupdate_scatter(hist_v, [t], ones16)
                return carry

            lax.fori_loop(0, crows // 2, sbody, 0)

        for ch in range(nch):
            nxt = None
            if ch + 1 < nch:
                nxt = pltpu.async_copy(
                    idx_hbm.at[pl.ds(
                        pl.multiple_of(base + (ch + 1) * crows, 8), crows)],
                    bufs[(ch + 1) % 2], sems[(ch + 1) % 2])
            h.wait()
            scatter_chunk(bufs[ch % 2])
            h = nxt

        def rbody(j, carry):
            acc = hist_v[pl.ds(j * 16, 16)]
            for k in range(1, 16):
                acc = acc + hist_v[pl.ds(k * NBINS + j * 16, 16)]
            red_v[pl.ds(j * 16, 16)] = acc
            return carry

        lax.fori_loop(0, NBINS // 16, rbody, 0)

        pltpu.sync_copy(red_v, shared.at[pl.ds(sid * NBINS, NBINS)])
        plsc.subcore_barrier()

        @pl.when(sid % wpi == 0)
        def _leader():
            img = cid * ipc + sid // wpi
            pltpu.sync_copy(shared.at[pl.ds(sid * NBINS, wpi * NBINS)],
                            part_v)

            def hbody(j, carry):
                acc = part_v[pl.ds(j * 16, 16)]
                for k in range(1, wpi):
                    acc = acc + part_v[pl.ds(k * NBINS + j * 16, 16)]
                red_v[pl.ds(j * 16, 16)] = acc
                return carry

            lax.fori_loop(0, NBINS // 16, hbody, 0)

            lanes = lax.iota(jnp.int32, 16)
            for c2 in range(2):
                cls = jnp.minimum(lanes + 16 * c2, NCLS - 1)
                row = plsc.load_gather(red_v, [cls * NCLS])
                col = plsc.load_gather(red_v, [cls])
                for j in range(1, NCLS):
                    row = row + plsc.load_gather(red_v, [cls * NCLS + j])
                    col = col + plsc.load_gather(red_v, [j * NCLS + cls])
                diag = plsc.load_gather(red_v, [cls * (NCLS + 1)])
                union = jnp.maximum(row + col - diag, 1.0)
                out_v[pl.ds(16 * c2, 16)] = diag / union
            pltpu.sync_copy(out_v, out_hbm.at[pl.ds(img * 32, 32)])

    return body


_sc_hist_cache = {}


def _sc_hist(nimg):
    if nimg not in _sc_hist_cache:
        epw = nimg * HW // 32
        wpi = 32 // nimg
        _sc_hist_cache[nimg] = functools.partial(
            pl.kernel,
            mesh=plsc.VectorSubcoreMesh(core_axis_name="c",
                                        subcore_axis_name="s"),
            out_type=jax.ShapeDtypeStruct((nimg * 32,), jnp.float32),
            scratch_types=[
                pltpu.VMEM((epw // 128 // 4, 128), jnp.int32),
                pltpu.VMEM((epw // 128 // 4, 128), jnp.int32),
                pltpu.VMEM((16 * NBINS,), jnp.float32),
                pltpu.VMEM((NBINS,), jnp.float32),
                pltpu.VMEM((wpi * NBINS,), jnp.float32),
                pltpu.VMEM((32,), jnp.float32),
                pltpu.VMEM_SHARED((16 * NBINS,), jnp.float32),
                pltpu.SemaphoreType.DMA,
                pltpu.SemaphoreType.DMA,
            ],
            compiler_params=pltpu.CompilerParams(needs_layout_passes=False),
        )(_make_sc_body(nimg))
    return _sc_hist_cache[nimg]


def kernel(preds, target):
    b = preds.shape[0]
    idx = _argmax_idx(preds, target, 0, b)
    out = _sc_hist(b)(idx)
    return out.reshape(b, 32)[:, :NCLS]

# --- scband reference (transcript-rebuilt; emitter-appended) ---
"""Pipeline reference for scband-seg-io-umetric-9320079032343 (READ-ONLY COPY).

The authoritative reference and input builder live on the scoring server;
editing this copy changes nothing except your own understanding.
"""

import jax, jax.numpy as jnp
import numpy as np

NUM_CLASSES = 19


def setup_inputs(seed: int = 0) -> dict:
    key = jax.random.key(seed)
    k1, k2 = jax.random.split(key)
    preds = jax.random.normal(k1, (8, NUM_CLASSES, 512, 512), dtype=jnp.float32)
    target = jax.random.randint(k2, (8, 512, 512), 0, NUM_CLASSES, dtype=jnp.int32)
    return {"preds": preds, "target": target}


def reference(preds, target):
    n = NUM_CLASSES
    # argmax over class dim -> predicted labels [B, H, W]
    pred_lbl = jnp.argmax(preds, axis=1)

    def per_image(p, l):
        p = p.reshape(-1)
        l = l.reshape(-1)
        k = (l >= 0) & (l < n)
        idx = jnp.where(k, n * l + p, 0)
        w = k.astype(jnp.float32)
        hist = jnp.bincount(idx, weights=w, length=n * n).reshape(n, n)
        insert = jnp.diag(hist)
        union = hist.sum(axis=1) + hist.sum(axis=0) - jnp.diag(hist)
        union = jnp.maximum(union, jnp.ones_like(union))
        return insert.astype(jnp.float32) / union.astype(jnp.float32)

    total_iou = jax.vmap(per_image)(pred_lbl, target)
    return total_iou

if __name__ == "__main__":
    import jax
    _d = setup_inputs()
    print(jax.jit(kernel)(*tuple(_d.values())))

</pallas_src>

<mosaic_0001>
#map = affine_map<(d0, d1) -> (0, 0)>
#map1 = affine_map<(d0, d1) -> (0)>
module attributes {stable_mosaic.version = 14 : i64} {
  func.func @body(%arg0: i32, %arg1: i32, %arg2: memref<16384x128xi32, #tpu.memory_space<hbm>>, %arg3: memref<256xf32, #tpu.memory_space<hbm>>, %arg4: memref<128x128xi32, #tpu.memory_space<vmem>>, %arg5: memref<128x128xi32, #tpu.memory_space<vmem>>, %arg6: memref<5888xf32, #tpu.memory_space<vmem>>, %arg7: memref<368xf32, #tpu.memory_space<vmem>>, %arg8: memref<1472xf32, #tpu.memory_space<vmem>>, %arg9: memref<32xf32, #tpu.memory_space<vmem>>, %arg10: memref<5888xf32, #tpu.memory_space<vmem_shared>>, %arg11: memref<!tpu.dma_semaphore, #tpu.memory_space<semaphore_mem>>, %arg12: memref<!tpu.dma_semaphore, #tpu.memory_space<semaphore_mem>>) attributes {dimension_semantics = [#tpu.dimension_semantics<core_parallel>, #tpu.dimension_semantics<subcore_parallel>], iteration_bounds = array<i64: 2, 16>, scalar_prefetch = 0 : i64, scratch_operands = 9 : i64, tpu.core_type = #tpu.core_type<sc_vector_subcore>, window_params = [{transform_indices = #map}, {transform_indices = #map1}]} {
    %mul3A = arith.constant 16 : i32
    %mul3A_0 = arith.muli %arg0, %mul3A : i32
    %add3A = arith.addi %mul3A_0, %arg1 : i32
    %mul3A_1 = arith.constant 65536 : i32
    %mul3A_2 = arith.muli %add3A, %mul3A_1 : i32
    %jit3A = arith.constant 128 : i32
    %div3A = arith.divsi %mul3A_2, %jit3A : i32
    %sign3A = arith.constant 0 : i32
    %sign3A_3 = arith.cmpi sgt, %mul3A_2, %sign3A : i32
    %sign3A_4 = arith.extui %sign3A_3 : i1 to i32
    %sign3A_5 = arith.constant 0 : i32
    %sign3A_6 = arith.cmpi slt, %mul3A_2, %sign3A_5 : i32
    %sign3A_7 = arith.extui %sign3A_6 : i1 to i32
    %sign3A_8 = arith.subi %sign3A_4, %sign3A_7 : i32
    %sign3A_9 = arith.constant 0 : i32
    %sign3A_10 = arith.cmpi sgt, %jit3A, %sign3A_9 : i32
    %sign3A_11 = arith.extui %sign3A_10 : i1 to i32
    %sign3A_12 = arith.constant 0 : i32
    %sign3A_13 = arith.cmpi slt, %jit3A, %sign3A_12 : i32
    %sign3A_14 = arith.extui %sign3A_13 : i1 to i32
    %sign3A_15 = arith.subi %sign3A_11, %sign3A_14 : i32
    %ne3A = arith.cmpi ne, %sign3A_8, %sign3A_15 : i32
    %rem3A = arith.remsi %mul3A_2, %jit3A : i32
    %ne3A_16 = arith.constant 0 : i32
    %ne3A_17 = arith.cmpi ne, %rem3A, %ne3A_16 : i32
    %and3A = arith.andi %ne3A, %ne3A_17 : i1
    %sub3A = arith.constant 1 : i32
    %sub3A_18 = arith.subi %div3A, %sub3A : i32
    %select_n3A = arith.select %and3A, %sub3A_18, %div3A : i32
    %multiple_of3A = tpu.assume_multiple %select_n3A, 8 : i32
    %dma_start3A = arith.constant 0 : i32
    %dma_start3A_19 = tpu.memref_slice %arg2[%multiple_of3A, %dma_start3A] : memref<16384x128xi32, #tpu.memory_space<hbm>> -> memref<128x128xi32, #tpu.memory_space<hbm>>
    %dma_start3A_20 = arith.constant 0 : i32
    %dma_start3A_21 = tpu.memref_slice %arg2[%multiple_of3A, %dma_start3A_20] : memref<16384x128xi32, #tpu.memory_space<hbm>> -> memref<128x128xi32, #tpu.memory_space<hbm>>
    tpu.enqueue_dma source(%dma_start3A_21 : memref<128x128xi32, #tpu.memory_space<hbm>>) target(%arg4 : memref<128x128xi32, #tpu.memory_space<vmem>>) target_semaphore(%arg11 : memref<!tpu.dma_semaphore, #tpu.memory_space<semaphore_mem>>)
    %broadcast_in_dim3A = arith.constant 0.000000e+00 : f32
    %broadcast_in_dim3A_22 = vector.broadcast %broadcast_in_dim3A : f32 to vector<16xf32>
    %scan3A = arith.constant 0 : i32
    %scan3A_23 = arith.constant 0 : i32
    %scan3A_24 = arith.constant 368 : i32
    %scan3A_25 = arith.addi %scan3A_23, %scan3A_24 : i32
    %scan3A_26 = arith.constant 8 : i32
    scf.for %scan3A_118 = %scan3A_23 to %scan3A_25 step %scan3A_26  : i32 {
      %mul3A_119 = arith.constant 16 : i32
      %mul3A_120 = arith.muli %scan3A_118, %mul3A_119 : i32
      %swap3A = arith.index_cast %mul3A_120 : i32 to index
      %swap3A_121 = tpu.vector_load %arg6[%swap3A] {strides = array<i32>} : memref<5888xf32, #tpu.memory_space<vmem>>, vector<16xf32>,
      tpu.vector_store %arg6[%swap3A], %broadcast_in_dim3A_22 {strides = array<i32>} : memref<5888xf32, #tpu.memory_space<vmem>>, vector<16xf32>,
      %scan3A_122 = arith.constant 1 : i32
      %scan3A_123 = arith.addi %scan3A_118, %scan3A_122 : i32
      %mul3A_124 = arith.constant 16 : i32
      %mul3A_125 = arith.muli %scan3A_123, %mul3A_124 : i32
      %swap3A_126 = arith.index_cast %mul3A_125 : i32 to index
      %swap3A_127 = tpu.vector_load %arg6[%swap3A_126] {strides = array<i32>} : memref<5888xf32, #tpu.memory_space<vmem>>, vector<16xf32>,
      tpu.vector_store %arg6[%swap3A_126], %broadcast_in_dim3A_22 {strides = array<i32>} : memref<5888xf32, #tpu.memory_space<vmem>>, vector<16xf32>,
      %scan3A_128 = arith.constant 2 : i32
      %scan3A_129 = arith.addi %scan3A_118, %scan3A_128 : i32
      %mul3A_130 = arith.constant 16 : i32
      %mul3A_131 = arith.muli %scan3A_129, %mul3A_130 : i32
      %swap3A_132 = arith.index_cast %mul3A_131 : i32 to index
      %swap3A_133 = tpu.vector_load %arg6[%swap3A_132] {strides = array<i32>} : memref<5888xf32, #tpu.memory_space<vmem>>, vector<16xf32>,
      tpu.vector_store %arg6[%swap3A_132], %broadcast_in_dim3A_22 {strides = array<i32>} : memref<5888xf32, #tpu.memory_space<vmem>>, vector<16xf32>,
      %scan3A_134 = arith.constant 3 : i32
      %scan3A_135 = arith.addi %scan3A_118, %scan3A_134 : i32
      %mul3A_136 = arith.constant 16 : i32
      %mul3A_137 = arith.muli %scan3A_135, %mul3A_136 : i32
      %swap3A_138 = arith.index_cast %mul3A_137 : i32 to index
      %swap3A_139 = tpu.vector_load %arg6[%swap3A_138] {strides = array<i32>} : memref<5888xf32, #tpu.memory_space<vmem>>, vector<16xf32>,
      tpu.vector_store %arg6[%swap3A_138], %broadcast_in_dim3A_22 {strides = array<i32>} : memref<5888xf32, #tpu.memory_space<vmem>>, vector<16xf32>,
      %scan3A_140 = arith.constant 4 : i32
      %scan3A_141 = arith.addi %scan3A_118, %scan3A_140 : i32
      %mul3A_142 = arith.constant 16 : i32
      %mul3A_143 = arith.muli %scan3A_141, %mul3A_142 : i32
      %swap3A_144 = arith.index_cast %mul3A_143 : i32 to index
      %swap3A_145 = tpu.vector_load %arg6[%swap3A_144] {strides = array<i32>} : memref<5888xf32, #tpu.memory_space<vmem>>, vector<16xf32>,
      tpu.vector_store %arg6[%swap3A_144], %broadcast_in_dim3A_22 {strides = array<i32>} : memref<5888xf32, #tpu.memory_space<vmem>>, vector<16xf32>,
      %scan3A_146 = arith.constant 5 : i32
      %scan3A_147 = arith.addi %scan3A_118, %scan3A_146 : i32
      %mul3A_148 = arith.constant 16 : i32
      %mul3A_149 = arith.muli %scan3A_147, %mul3A_148 : i32
      %swap3A_150 = arith.index_cast %mul3A_149 : i32 to index
      %swap3A_151 = tpu.vector_load %arg6[%swap3A_150] {strides = array<i32>} : memref<5888xf32, #tpu.memory_space<vmem>>, vector<16xf32>,
      tpu.vector_store %arg6[%swap3A_150], %broadcast_in_dim3A_22 {strides = array<i32>} : memref<5888xf32, #tpu.memory_space<vmem>>, vector<16xf32>,
      %scan3A_152 = arith.constant 6 : i32
      %scan3A_153 = arith.addi %scan3A_118, %scan3A_152 : i32
      %mul3A_154 = arith.constant 16 : i32
      %mul3A_155 = arith.muli %scan3A_153, %mul3A_154 : i32
      %swap3A_156 = arith.index_cast %mul3A_155 : i32 to index
      %swap3A_157 = tpu.vector_load %arg6[%swap3A_156] {strides = array<i32>} : memref<5888xf32, #tpu.memory_space<vmem>>, vector<16xf32>,
      tpu.vector_store %arg6[%swap3A_156], %broadcast_in_dim3A_22 {strides = array<i32>} : memref<5888xf32, #tpu.memory_space<vmem>>, vector<16xf32>,
      %scan3A_158 = arith.constant 7 : i32
      %scan3A_159 = arith.addi %scan3A_118, %scan3A_158 : i32
      %mul3A_160 = arith.constant 16 : i32
      %mul3A_161 = arith.muli %scan3A_159, %mul3A_160 : i32
      %swap3A_162 = arith.index_cast %mul3A_161 : i32 to index
      %swap3A_163 = tpu.vector_load %arg6[%swap3A_162] {strides = array<i32>} : memref<5888xf32, #tpu.memory_space<vmem>>, vector<16xf32>,
      tpu.vector_store %arg6[%swap3A_162], %broadcast_in_dim3A_22 {strides = array<i32>} : memref<5888xf32, #tpu.memory_space<vmem>>, vector<16xf32>,
    }
    %scan3A_27 = arith.constant 368 : i32
    %iota3A = tpu.iota {dimensions = array<i32: 0>} : vector<16xi32>
    %mul3A_28 = arith.constant 368 : i32
    %mul3A_29 = vector.broadcast %mul3A_28 : i32 to vector<16xi32>
    %mul3A_30 = arith.muli %iota3A, %mul3A_29 : vector<16xi32>
    %broadcast_in_dim3A_31 = arith.constant 1.000000e+00 : f32
    %broadcast_in_dim3A_32 = vector.broadcast %broadcast_in_dim3A_31 : f32 to vector<16xf32>
    %add3A_33 = arith.constant 128 : i32
    %add3A_34 = arith.addi %select_n3A, %add3A_33 : i32
    %multiple_of3A_35 = tpu.assume_multiple %add3A_34, 8 : i32
    %dma_start3A_36 = arith.constant 0 : i32
    %dma_start3A_37 = tpu.memref_slice %arg2[%multiple_of3A_35, %dma_start3A_36] : memref<16384x128xi32, #tpu.memory_space<hbm>> -> memref<128x128xi32, #tpu.memory_space<hbm>>
    %dma_start3A_38 = arith.constant 0 : i32
    %dma_start3A_39 = tpu.memref_slice %arg2[%multiple_of3A_35, %dma_start3A_38] : memref<16384x128xi32, #tpu.memory_space<hbm>> -> memref<128x128xi32, #tpu.memory_space<hbm>>
    tpu.enqueue_dma source(%dma_start3A_39 : memref<128x128xi32, #tpu.memory_space<hbm>>) target(%arg5 : memref<128x128xi32, #tpu.memory_space<vmem>>) target_semaphore(%arg12 : memref<!tpu.dma_semaphore, #tpu.memory_space<semaphore_mem>>)
    %dma_wait3A = arith.constant 0 : i32
    %dma_wait3A_40 = tpu.memref_slice %arg2[%multiple_of3A, %dma_wait3A] : memref<16384x128xi32, #tpu.memory_space<hbm>> -> memref<128x128xi32, #tpu.memory_space<hbm>>
    %dma_wait3A_41 = arith.constant 0 : i32
    %dma_wait3A_42 = tpu.memref_slice %arg2[%multiple_of3A, %dma_wait3A_41] : memref<16384x128xi32, #tpu.memory_space<hbm>> -> memref<128x128xi32, #tpu.memory_space<hbm>>
    tpu.wait_dma2 semaphore(%arg11 : memref<!tpu.dma_semaphore, #tpu.memory_space<semaphore_mem>>) src(%dma_wait3A_42 : memref<128x128xi32, #tpu.memory_space<hbm>>) dst(%arg4 : memref<128x128xi32, #tpu.memory_space<vmem>>)
    %scan3A_43 = arith.constant 0 : i32
    %scan3A_44 = arith.constant 0 : i32
    %scan3A_45 = arith.constant 64 : i32
    %scan3A_46 = arith.addi %scan3A_44, %scan3A_45 : i32
    %scan3A_47 = arith.constant 1 : i32
    scf.for %scan3A_118 = %scan3A_44 to %scan3A_46 step %scan3A_47  : i32 {
      %mul3A_119 = arith.constant 2 : i32
      %mul3A_120 = arith.muli %scan3A_118, %mul3A_119 : i32
      %add3A_121 = arith.constant 0 : i32
      %add3A_122 = arith.addi %mul3A_120, %add3A_121 : i32
      %get3A = arith.index_cast %add3A_122 : i32 to index
      %get3A_123 = arith.constant 0 : index
      %get3A_124 = tpu.vector_load %arg4[%get3A, %get3A_123] {strides = array<i32>} : memref<128x128xi32, #tpu.memory_space<vmem>>, vector<16xi32>,
      %mul3A_125 = arith.constant 2 : i32
      %mul3A_126 = arith.muli %scan3A_118, %mul3A_125 : i32
      %add3A_127 = arith.constant 0 : i32
      %add3A_128 = arith.addi %mul3A_126, %add3A_127 : i32
      %get3A_129 = arith.index_cast %add3A_128 : i32 to index
      %get3A_130 = arith.constant 16 : index
      %get3A_131 = tpu.vector_load %arg4[%get3A_129, %get3A_130] {strides = array<i32>} : memref<128x128xi32, #tpu.memory_space<vmem>>, vector<16xi32>,
      %mul3A_132 = arith.constant 2 : i32
      %mul3A_133 = arith.muli %scan3A_118, %mul3A_132 : i32
      %add3A_134 = arith.constant 0 : i32
      %add3A_135 = arith.addi %mul3A_133, %add3A_134 : i32
      %get3A_136 = arith.index_cast %add3A_135 : i32 to index
      %get3A_137 = arith.constant 32 : index
      %get3A_138 = tpu.vector_load %arg4[%get3A_136, %get3A_137] {strides = array<i32>} : memref<128x128xi32, #tpu.memory_space<vmem>>, vector<16xi32>,
      %mul3A_139 = arith.constant 2 : i32
      %mul3A_140 = arith.muli %scan3A_118, %mul3A_139 : i32
      %add3A_141 = arith.constant 0 : i32
      %add3A_142 = arith.addi %mul3A_140, %add3A_141 : i32
      %get3A_143 = arith.index_cast %add3A_142 : i32 to index
      %get3A_144 = arith.constant 48 : index
      %get3A_145 = tpu.vector_load %arg4[%get3A_143, %get3A_144] {strides = array<i32>} : memref<128x128xi32, #tpu.memory_space<vmem>>, vector<16xi32>,
      %mul3A_146 = arith.constant 2 : i32
      %mul3A_147 = arith.muli %scan3A_118, %mul3A_146 : i32
      %add3A_148 = arith.constant 0 : i32
      %add3A_149 = arith.addi %mul3A_147, %add3A_148 : i32
      %get3A_150 = arith.index_cast %add3A_149 : i32 to index
      %get3A_151 = arith.constant 64 : index
      %get3A_152 = tpu.vector_load %arg4[%get3A_150, %get3A_151] {strides = array<i32>} : memref<128x128xi32, #tpu.memory_space<vmem>>, vector<16xi32>,
      %mul3A_153 = arith.constant 2 : i32
      %mul3A_154 = arith.muli %scan3A_118, %mul3A_153 : i32
      %add3A_155 = arith.constant 0 : i32
      %add3A_156 = arith.addi %mul3A_154, %add3A_155 : i32
      %get3A_157 = arith.index_cast %add3A_156 : i32 to index
      %get3A_158 = arith.constant 80 : index
      %get3A_159 = tpu.vector_load %arg4[%get3A_157, %get3A_158] {strides = array<i32>} : memref<128x128xi32, #tpu.memory_space<vmem>>, vector<16xi32>,
      %mul3A_160 = arith.constant 2 : i32
      %mul3A_161 = arith.muli %scan3A_118, %mul3A_160 : i32
      %add3A_162 = arith.constant 0 : i32
      %add3A_163 = arith.addi %mul3A_161, %add3A_162 : i32
      %get3A_164 = arith.index_cast %add3A_163 : i32 to index
      %get3A_165 = arith.constant 96 : index
      %get3A_166 = tpu.vector_load %arg4[%get3A_164, %get3A_165] {strides = array<i32>} : memref<128x128xi32, #tpu.memory_space<vmem>>, vector<16xi32>,
      %mul3A_167 = arith.constant 2 : i32
      %mul3A_168 = arith.muli %scan3A_118, %mul3A_167 : i32
      %add3A_169 = arith.constant 0 : i32
      %add3A_170 = arith.addi %mul3A_168, %add3A_169 : i32
      %get3A_171 = arith.index_cast %add3A_170 : i32 to index
      %get3A_172 = arith.constant 112 : index
      %get3A_173 = tpu.vector_load %arg4[%get3A_171, %get3A_172] {strides = array<i32>} : memref<128x128xi32, #tpu.memory_space<vmem>>, vector<16xi32>,
      %mul3A_174 = arith.constant 2 : i32
      %mul3A_175 = arith.muli %scan3A_118, %mul3A_174 : i32
      %add3A_176 = arith.constant 1 : i32
      %add3A_177 = arith.addi %mul3A_175, %add3A_176 : i32
      %get3A_178 = arith.index_cast %add3A_177 : i32 to index
      %get3A_179 = arith.constant 0 : index
      %get3A_180 = tpu.vector_load %arg4[%get3A_178, %get3A_179] {strides = array<i32>} : memref<128x128xi32, #tpu.memory_space<vmem>>, vector<16xi32>,
      %mul3A_181 = arith.constant 2 : i32
      %mul3A_182 = arith.muli %scan3A_118, %mul3A_181 : i32
      %add3A_183 = arith.constant 1 : i32
      %add3A_184 = arith.addi %mul3A_182, %add3A_183 : i32
      %get3A_185 = arith.index_cast %add3A_184 : i32 to index
      %get3A_186 = arith.constant 16 : index
      %get3A_187 = tpu.vector_load %arg4[%get3A_185, %get3A_186] {strides = array<i32>} : memref<128x128xi32, #tpu.memory_space<vmem>>, vector<16xi32>,
      %mul3A_188 = arith.constant 2 : i32
      %mul3A_189 = arith.muli %scan3A_118, %mul3A_188 : i32
      %add3A_190 = arith.constant 1 : i32
      %add3A_191 = arith.addi %mul3A_189, %add3A_190 : i32
      %get3A_192 = arith.index_cast %add3A_191 : i32 to index
      %get3A_193 = arith.constant 32 : index
      %get3A_194 = tpu.vector_load %arg4[%get3A_192, %get3A_193] {strides = array<i32>} : memref<128x128xi32, #tpu.memory_space<vmem>>, vector<16xi32>,
      %mul3A_195 = arith.constant 2 : i32
      %mul3A_196 = arith.muli %scan3A_118, %mul3A_195 : i32
      %add3A_197 = arith.constant 1 : i32
      %add3A_198 = arith.addi %mul3A_196, %add3A_197 : i32
      %get3A_199 = arith.index_cast %add3A_198 : i32 to index
      %get3A_200 = arith.constant 48 : index
      %get3A_201 = tpu.vector_load %arg4[%get3A_199, %get3A_200] {strides = array<i32>} : memref<128x128xi32, #tpu.memory_space<vmem>>, vector<16xi32>,
      %mul3A_202 = arith.constant 2 : i32
      %mul3A_203 = arith.muli %scan3A_118, %mul3A_202 : i32
      %add3A_204 = arith.constant 1 : i32
      %add3A_205 = arith.addi %mul3A_203, %add3A_204 : i32
      %get3A_206 = arith.index_cast %add3A_205 : i32 to index
      %get3A_207 = arith.constant 64 : index
      %get3A_208 = tpu.vector_load %arg4[%get3A_206, %get3A_207] {strides = array<i32>} : memref<128x128xi32, #tpu.memory_space<vmem>>, vector<16xi32>,
      %mul3A_209 = arith.constant 2 : i32
      %mul3A_210 = arith.muli %scan3A_118, %mul3A_209 : i32
      %add3A_211 = arith.constant 1 : i32
      %add3A_212 = arith.addi %mul3A_210, %add3A_211 : i32
      %get3A_213 = arith.index_cast %add3A_212 : i32 to index
      %get3A_214 = arith.constant 80 : index
      %get3A_215 = tpu.vector_load %arg4[%get3A_213, %get3A_214] {strides = array<i32>} : memref<128x128xi32, #tpu.memory_space<vmem>>, vector<16xi32>,
      %mul3A_216 = arith.constant 2 : i32
      %mul3A_217 = arith.muli %scan3A_118, %mul3A_216 : i32
      %add3A_218 = arith.constant 1 : i32
      %add3A_219 = arith.addi %mul3A_217, %add3A_218 : i32
      %get3A_220 = arith.index_cast %add3A_219 : i32 to index
      %get3A_221 = arith.constant 96 : index
      %get3A_222 = tpu.vector_load %arg4[%get3A_220, %get3A_221] {strides = array<i32>} : memref<128x128xi32, #tpu.memory_space<vmem>>, vector<16xi32>,
      %mul3A_223 = arith.constant 2 : i32
      %mul3A_224 = arith.muli %scan3A_118, %mul3A_223 : i32
      %add3A_225 = arith.constant 1 : i32
      %add3A_226 = arith.addi %mul3A_224, %add3A_225 : i32
      %get3A_227 = arith.index_cast %add3A_226 : i32 to index
      %get3A_228 = arith.constant 112 : index
      %get3A_229 = tpu.vector_load %arg4[%get3A_227, %get3A_228] {strides = array<i32>} : memref<128x128xi32, #tpu.memory_space<vmem>>, vector<16xi32>,
      %add3A_230 = arith.addi %mul3A_30, %get3A_124 : vector<16xi32>
      %add3A_231 = arith.addi %mul3A_30, %get3A_131 : vector<16xi32>
      %add3A_232 = arith.addi %mul3A_30, %get3A_138 : vector<16xi32>
      %add3A_233 = arith.addi %mul3A_30, %get3A_145 : vector<16xi32>
      %add3A_234 = arith.addi %mul3A_30, %get3A_152 : vector<16xi32>
      %add3A_235 = arith.addi %mul3A_30, %get3A_159 : vector<16xi32>
      %add3A_236 = arith.addi %mul3A_30, %get3A_166 : vector<16xi32>
      %add3A_237 = arith.addi %mul3A_30, %get3A_173 : vector<16xi32>
      %add3A_238 = arith.addi %mul3A_30, %get3A_180 : vector<16xi32>
      %add3A_239 = arith.addi %mul3A_30, %get3A_187 : vector<16xi32>
      %add3A_240 = arith.addi %mul3A_30, %get3A_194 : vector<16xi32>
      %add3A_241 = arith.addi %mul3A_30, %get3A_201 : vector<16xi32>
      %add3A_242 = arith.addi %mul3A_30, %get3A_208 : vector<16xi32>
      %add3A_243 = arith.addi %mul3A_30, %get3A_215 : vector<16xi32>
      %add3A_244 = arith.addi %mul3A_30, %get3A_222 : vector<16xi32>
      %add3A_245 = arith.addi %mul3A_30, %get3A_229 : vector<16xi32>
      tpu.vector_store_idx %arg6[%add3A_230], %broadcast_in_dim3A_32 {add = true} : memref<5888xf32, #tpu.memory_space<vmem>>[vector<16xi32>], vector<16xf32>,
      tpu.vector_store_idx %arg6[%add3A_231], %broadcast_in_dim3A_32 {add = true} : memref<5888xf32, #tpu.memory_space<vmem>>[vector<16xi32>], vector<16xf32>,
      tpu.vector_store_idx %arg6[%add3A_232], %broadcast_in_dim3A_32 {add = true} : memref<5888xf32, #tpu.memory_space<vmem>>[vector<16xi32>], vector<16xf32>,
      tpu.vector_store_idx %arg6[%add3A_233], %broadcast_in_dim3A_32 {add = true} : memref<5888xf32, #tpu.memory_space<vmem>>[vector<16xi32>], vector<16xf32>,
      tpu.vector_store_idx %arg6[%add3A_234], %broadcast_in_dim3A_32 {add = true} : memref<5888xf32, #tpu.memory_space<vmem>>[vector<16xi32>], vector<16xf32>,
      tpu.vector_store_idx %arg6[%add3A_235], %broadcast_in_dim3A_32 {add = true} : memref<5888xf32, #tpu.memory_space<vmem>>[vector<16xi32>], vector<16xf32>,
      tpu.vector_store_idx %arg6[%add3A_236], %broadcast_in_dim3A_32 {add = true} : memref<5888xf32, #tpu.memory_space<vmem>>[vector<16xi32>], vector<16xf32>,
      tpu.vector_store_idx %arg6[%add3A_237], %broadcast_in_dim3A_32 {add = true} : memref<5888xf32, #tpu.memory_space<vmem>>[vector<16xi32>], vector<16xf32>,
      tpu.vector_store_idx %arg6[%add3A_238], %broadcast_in_dim3A_32 {add = true} : memref<5888xf32, #tpu.memory_space<vmem>>[vector<16xi32>], vector<16xf32>,
      tpu.vector_store_idx %arg6[%add3A_239], %broadcast_in_dim3A_32 {add = true} : memref<5888xf32, #tpu.memory_space<vmem>>[vector<16xi32>], vector<16xf32>,
      tpu.vector_store_idx %arg6[%add3A_240], %broadcast_in_dim3A_32 {add = true} : memref<5888xf32, #tpu.memory_space<vmem>>[vector<16xi32>], vector<16xf32>,
      tpu.vector_store_idx %arg6[%add3A_241], %broadcast_in_dim3A_32 {add = true} : memref<5888xf32, #tpu.memory_space<vmem>>[vector<16xi32>], vector<16xf32>,
      tpu.vector_store_idx %arg6[%add3A_242], %broadcast_in_dim3A_32 {add = true} : memref<5888xf32, #tpu.memory_space<vmem>>[vector<16xi32>], vector<16xf32>,
      tpu.vector_store_idx %arg6[%add3A_243], %broadcast_in_dim3A_32 {add = true} : memref<5888xf32, #tpu.memory_space<vmem>>[vector<16xi32>], vector<16xf32>,
      tpu.vector_store_idx %arg6[%add3A_244], %broadcast_in_dim3A_32 {add = true} : memref<5888xf32, #tpu.memory_space<vmem>>[vector<16xi32>], vector<16xf32>,
      tpu.vector_store_idx %arg6[%add3A_245], %broadcast_in_dim3A_32 {add = true} : memref<5888xf32, #tpu.memory_space<vmem>>[vector<16xi32>], vector<16xf32>,
    }
    %scan3A_48 = arith.constant 64 : i32
    %add3A_49 = arith.constant 256 : i32
    %add3A_50 = arith.addi %select_n3A, %add3A_49 : i32
    %multiple_of3A_51 = tpu.assume_multiple %add3A_50, 8 : i32
    %dma_start3A_52 = arith.constant 0 : i32
    %dma_start3A_53 = tpu.memref_slice %arg2[%multiple_of3A_51, %dma_start3A_52] : memref<16384x128xi32, #tpu.memory_space<hbm>> -> memref<128x128xi32, #tpu.memory_space<hbm>>
    %dma_start3A_54 = arith.constant 0 : i32
    %dma_start3A_55 = tpu.memref_slice %arg2[%multiple_of3A_51, %dma_start3A_54] : memref<16384x128xi32, #tpu.memory_space<hbm>> -> memref<128x128xi32, #tpu.memory_space<hbm>>
    tpu.enqueue_dma source(%dma_start3A_55 : memref<128x128xi32, #tpu.memory_space<hbm>>) target(%arg4 : memref<128x128xi32, #tpu.memory_space<vmem>>) target_semaphore(%arg11 : memref<!tpu.dma_semaphore, #tpu.memory_space<semaphore_mem>>)
    %dma_wait3A_56 = arith.constant 0 : i32
    %dma_wait3A_57 = tpu.memref_slice %arg2[%multiple_of3A_35, %dma_wait3A_56] : memref<16384x128xi32, #tpu.memory_space<hbm>> -> memref<128x128xi32, #tpu.memory_space<hbm>>
    %dma_wait3A_58 = arith.constant 0 : i32
    %dma_wait3A_59 = tpu.memref_slice %arg2[%multiple_of3A_35, %dma_wait3A_58] : memref<16384x128xi32, #tpu.memory_space<hbm>> -> memref<128x128xi32, #tpu.memory_space<hbm>>
    tpu.wait_dma2 semaphore(%arg12 : memref<!tpu.dma_semaphore, #tpu.memory_space<semaphore_mem>>) src(%dma_wait3A_59 : memref<128x128xi32, #tpu.memory_space<hbm>>) dst(%arg5 : memref<128x128xi32, #tpu.memory_space<vmem>>)
    %scan3A_60 = arith.constant 0 : i32
    %scan3A_61 = arith.constant 0 : i32
    %scan3A_62 = arith.constant 64 : i32
    %scan3A_63 = arith.addi %scan3A_61, %scan3A_62 : i32
    %scan3A_64 = arith.constant 1 : i32
    scf.for %scan3A_118 = %scan3A_61 to %scan3A_63 step %scan3A_64  : i32 {
      %mul3A_119 = arith.constant 2 : i32
      %mul3A_120 = arith.muli %scan3A_118, %mul3A_119 : i32
      %add3A_121 = arith.constant 0 : i32
      %add3A_122 = arith.addi %mul3A_120, %add3A_121 : i32
      %get3A = arith.index_cast %add3A_122 : i32 to index
      %get3A_123 = arith.constant 0 : index
      %get3A_124 = tpu.vector_load %arg5[%get3A, %get3A_123] {strides = array<i32>} : memref<128x128xi32, #tpu.memory_space<vmem>>, vector<16xi32>,
      %mul3A_125 = arith.constant 2 : i32
      %mul3A_126 = arith.muli %scan3A_118, %mul3A_125 : i32
      %add3A_127 = arith.constant 0 : i32
      %add3A_128 = arith.addi %mul3A_126, %add3A_127 : i32
      %get3A_129 = arith.index_cast %add3A_128 : i32 to index
      %get3A_130 = arith.constant 16 : index
      %get3A_131 = tpu.vector_load %arg5[%get3A_129, %get3A_130] {strides = array<i32>} : memref<128x128xi32, #tpu.memory_space<vmem>>, vector<16xi32>,
      %mul3A_132 = arith.constant 2 : i32
      %mul3A_133 = arith.muli %scan3A_118, %mul3A_132 : i32
      %add3A_134 = arith.constant 0 : i32
      %add3A_135 = arith.addi %mul3A_133, %add3A_134 : i32
      %get3A_136 = arith.index_cast %add3A_135 : i32 to index
      %get3A_137 = arith.constant 32 : index
      %get3A_138 = tpu.vector_load %arg5[%get3A_136, %get3A_137] {strides = array<i32>} : memref<128x128xi32, #tpu.memory_space<vmem>>, vector<16xi32>,
      %mul3A_139 = arith.constant 2 : i32
      %mul3A_140 = arith.muli %scan3A_118, %mul3A_139 : i32
      %add3A_141 = arith.constant 0 : i32
      %add3A_142 = arith.addi %mul3A_140, %add3A_141 : i32
      %get3A_143 = arith.index_cast %add3A_142 : i32 to index
      %get3A_144 = arith.constant 48 : index
      %get3A_145 = tpu.vector_load %arg5[%get3A_143, %get3A_144] {strides = array<i32>} : memref<128x128xi32, #tpu.memory_space<vmem>>, vector<16xi32>,
      %mul3A_146 = arith.constant 2 : i32
      %mul3A_147 = arith.muli %scan3A_118, %mul3A_146 : i32
      %add3A_148 = arith.constant 0 : i32
      %add3A_149 = arith.addi %mul3A_147, %add3A_148 : i32
      %get3A_150 = arith.index_cast %add3A_149 : i32 to index
      %get3A_151 = arith.constant 64 : index
      %get3A_152 = tpu.vector_load %arg5[%get3A_150, %get3A_151] {strides = array<i32>} : memref<128x128xi32, #tpu.memory_space<vmem>>, vector<16xi32>,
      %mul3A_153 = arith.constant 2 : i32
      %mul3A_154 = arith.muli %scan3A_118, %mul3A_153 : i32
      %add3A_155 = arith.constant 0 : i32
      %add3A_156 = arith.addi %mul3A_154, %add3A_155 : i32
      %get3A_157 = arith.index_cast %add3A_156 : i32 to index
      %get3A_158 = arith.constant 80 : index
      %get3A_159 = tpu.vector_load %arg5[%get3A_157, %get3A_158] {strides = array<i32>} : memref<128x128xi32, #tpu.memory_space<vmem>>, vector<16xi32>,
      %mul3A_160 = arith.constant 2 : i32
      %mul3A_161 = arith.muli %scan3A_118, %mul3A_160 : i32
      %add3A_162 = arith.constant 0 : i32
      %add3A_163 = arith.addi %mul3A_161, %add3A_162 : i32
      %get3A_164 = arith.index_cast %add3A_163 : i32 to index
      %get3A_165 = arith.constant 96 : index
      %get3A_166 = tpu.vector_load %arg5[%get3A_164, %get3A_165] {strides = array<i32>} : memref<128x128xi32, #tpu.memory_space<vmem>>, vector<16xi32>,
      %mul3A_167 = arith.constant 2 : i32
      %mul3A_168 = arith.muli %scan3A_118, %mul3A_167 : i32
      %add3A_169 = arith.constant 0 : i32
      %add3A_170 = arith.addi %mul3A_168, %add3A_169 : i32
      %get3A_171 = arith.index_cast %add3A_170 : i32 to index
      %get3A_172 = arith.constant 112 : index
      %get3A_173 = tpu.vector_load %arg5[%get3A_171, %get3A_172] {strides = array<i32>} : memref<128x128xi32, #tpu.memory_space<vmem>>, vector<16xi32>,
      %mul3A_174 = arith.constant 2 : i32
      %mul3A_175 = arith.muli %scan3A_118, %mul3A_174 : i32
      %add3A_176 = arith.constant 1 : i32
      %add3A_177 = arith.addi %mul3A_175, %add3A_176 : i32
      %get3A_178 = arith.index_cast %add3A_177 : i32 to index
      %get3A_179 = arith.constant 0 : index
      %get3A_180 = tpu.vector_load %arg5[%get3A_178, %get3A_179] {strides = array<i32>} : memref<128x128xi32, #tpu.memory_space<vmem>>, vector<16xi32>,
      %mul3A_181 = arith.constant 2 : i32
      %mul3A_182 = arith.muli %scan3A_118, %mul3A_181 : i32
      %add3A_183 = arith.constant 1 : i32
      %add3A_184 = arith.addi %mul3A_182, %add3A_183 : i32
      %get3A_185 = arith.index_cast %add3A_184 : i32 to index
      %get3A_186 = arith.constant 16 : index
      %get3A_187 = tpu.vector_load %arg5[%get3A_185, %get3A_186] {strides = array<i32>} : memref<128x128xi32, #tpu.memory_space<vmem>>, vector<16xi32>,
      %mul3A_188 = arith.constant 2 : i32
      %mul3A_189 = arith.muli %scan3A_118, %mul3A_188 : i32
      %add3A_190 = arith.constant 1 : i32
      %add3A_191 = arith.addi %mul3A_189, %add3A_190 : i32
      %get3A_192 = arith.index_cast %add3A_191 : i32 to index
      %get3A_193 = arith.constant 32 : index
      %get3A_194 = tpu.vector_load %arg5[%get3A_192, %get3A_193] {strides = array<i32>} : memref<128x128xi32, #tpu.memory_space<vmem>>, vector<16xi32>,
      %mul3A_195 = arith.constant 2 : i32
      %mul3A_196 = arith.muli %scan3A_118, %mul3A_195 : i32
      %add3A_197 = arith.constant 1 : i32
      %add3A_198 = arith.addi %mul3A_196, %add3A_197 : i32
      %get3A_199 = arith.index_cast %add3A_198 : i32 to index
      %get3A_200 = arith.constant 48 : index
      %get3A_201 = tpu.vector_load %arg5[%get3A_199, %get3A_200] {strides = array<i32>} : memref<128x128xi32, #tpu.memory_space<vmem>>, vector<16xi32>,
      %mul3A_202 = arith.constant 2 : i32
      %mul3A_203 = arith.muli %scan3A_118, %mul3A_202 : i32
      %add3A_204 = arith.constant 1 : i32
      %add3A_205 = arith.addi %mul3A_203, %add3A_204 : i32
      %get3A_206 = arith.index_cast %add3A_205 : i32 to index
      %get3A_207 = arith.constant 64 : index
      %get3A_208 = tpu.vector_load %arg5[%get3A_206, %get3A_207] {strides = array<i32>} : memref<128x128xi32, #tpu.memory_space<vmem>>, vector<16xi32>,
      %mul3A_209 = arith.constant 2 : i32
      %mul3A_210 = arith.muli %scan3A_118, %mul3A_209 : i32
      %add3A_211 = arith.constant 1 : i32
      %add3A_212 = arith.addi %mul3A_210, %add3A_211 : i32
      %get3A_213 = arith.index_cast %add3A_212 : i32 to index
      %get3A_214 = arith.constant 80 : index
      %get3A_215 = tpu.vector_load %arg5[%get3A_213, %get3A_214] {strides = array<i32>} : memref<128x128xi32, #tpu.memory_space<vmem>>, vector<16xi32>,
      %mul3A_216 = arith.constant 2 : i32
      %mul3A_217 = arith.muli %scan3A_118, %mul3A_216 : i32
      %add3A_218 = arith.constant 1 : i32
      %add3A_219 = arith.addi %mul3A_217, %add3A_218 : i32
      %get3A_220 = arith.index_cast %add3A_219 : i32 to index
      %get3A_221 = arith.constant 96 : index
      %get3A_222 = tpu.vector_load %arg5[%get3A_220, %get3A_221] {strides = array<i32>} : memref<128x128xi32, #tpu.memory_space<vmem>>, vector<16xi32>,
      %mul3A_223 = arith.constant 2 : i32
      %mul3A_224 = arith.muli %scan3A_118, %mul3A_223 : i32
      %add3A_225 = arith.constant 1 : i32
      %add3A_226 = arith.addi %mul3A_224, %add3A_225 : i32
      %get3A_227 = arith.index_cast %add3A_226 : i32 to index
      %get3A_228 = arith.constant 112 : index
      %get3A_229 = tpu.vector_load %arg5[%get3A_227, %get3A_228] {strides = array<i32>} : memref<128x128xi32, #tpu.memory_space<vmem>>, vector<16xi32>,
      %add3A_230 = arith.addi %mul3A_30, %get3A_124 : vector<16xi32>
      %add3A_231 = arith.addi %mul3A_30, %get3A_131 : vector<16xi32>
      %add3A_232 = arith.addi %mul3A_30, %get3A_138 : vector<16xi32>
      %add3A_233 = arith.addi %mul3A_30, %get3A_145 : vector<16xi32>
      %add3A_234 = arith.addi %mul3A_30, %get3A_152 : vector<16xi32>
      %add3A_235 = arith.addi %mul3A_30, %get3A_159 : vector<16xi32>
      %add3A_236 = arith.addi %mul3A_30, %get3A_166 : vector<16xi32>
      %add3A_237 = arith.addi %mul3A_30, %get3A_173 : vector<16xi32>
      %add3A_238 = arith.addi %mul3A_30, %get3A_180 : vector<16xi32>
      %add3A_239 = arith.addi %mul3A_30, %get3A_187 : vector<16xi32>
      %add3A_240 = arith.addi %mul3A_30, %get3A_194 : vector<16xi32>
      %add3A_241 = arith.addi %mul3A_30, %get3A_201 : vector<16xi32>
      %add3A_242 = arith.addi %mul3A_30, %get3A_208 : vector<16xi32>
      %add3A_243 = arith.addi %mul3A_30, %get3A_215 : vector<16xi32>
      %add3A_244 = arith.addi %mul3A_30, %get3A_222 : vector<16xi32>
      %add3A_245 = arith.addi %mul3A_30, %get3A_229 : vector<16xi32>
      tpu.vector_store_idx %arg6[%add3A_230], %broadcast_in_dim3A_32 {add = true} : memref<5888xf32, #tpu.memory_space<vmem>>[vector<16xi32>], vector<16xf32>,
      tpu.vector_store_idx %arg6[%add3A_231], %broadcast_in_dim3A_32 {add = true} : memref<5888xf32, #tpu.memory_space<vmem>>[vector<16xi32>], vector<16xf32>,
      tpu.vector_store_idx %arg6[%add3A_232], %broadcast_in_dim3A_32 {add = true} : memref<5888xf32, #tpu.memory_space<vmem>>[vector<16xi32>], vector<16xf32>,
      tpu.vector_store_idx %arg6[%add3A_233], %broadcast_in_dim3A_32 {add = true} : memref<5888xf32, #tpu.memory_space<vmem>>[vector<16xi32>], vector<16xf32>,
      tpu.vector_store_idx %arg6[%add3A_234], %broadcast_in_dim3A_32 {add = true} : memref<5888xf32, #tpu.memory_space<vmem>>[vector<16xi32>], vector<16xf32>,
      tpu.vector_store_idx %arg6[%add3A_235], %broadcast_in_dim3A_32 {add = true} : memref<5888xf32, #tpu.memory_space<vmem>>[vector<16xi32>], vector<16xf32>,
      tpu.vector_store_idx %arg6[%add3A_236], %broadcast_in_dim3A_32 {add = true} : memref<5888xf32, #tpu.memory_space<vmem>>[vector<16xi32>], vector<16xf32>,
      tpu.vector_store_idx %arg6[%add3A_237], %broadcast_in_dim3A_32 {add = true} : memref<5888xf32, #tpu.memory_space<vmem>>[vector<16xi32>], vector<16xf32>,
      tpu.vector_store_idx %arg6[%add3A_238], %broadcast_in_dim3A_32 {add = true} : memref<5888xf32, #tpu.memory_space<vmem>>[vector<16xi32>], vector<16xf32>,
      tpu.vector_store_idx %arg6[%add3A_239], %broadcast_in_dim3A_32 {add = true} : memref<5888xf32, #tpu.memory_space<vmem>>[vector<16xi32>], vector<16xf32>,
      tpu.vector_store_idx %arg6[%add3A_240], %broadcast_in_dim3A_32 {add = true} : memref<5888xf32, #tpu.memory_space<vmem>>[vector<16xi32>], vector<16xf32>,
      tpu.vector_store_idx %arg6[%add3A_241], %broadcast_in_dim3A_32 {add = true} : memref<5888xf32, #tpu.memory_space<vmem>>[vector<16xi32>], vector<16xf32>,
      tpu.vector_store_idx %arg6[%add3A_242], %broadcast_in_dim3A_32 {add = true} : memref<5888xf32, #tpu.memory_space<vmem>>[vector<16xi32>], vector<16xf32>,
      tpu.vector_store_idx %arg6[%add3A_243], %broadcast_in_dim3A_32 {add = true} : memref<5888xf32, #tpu.memory_space<vmem>>[vector<16xi32>], vector<16xf32>,
      tpu.vector_store_idx %arg6[%add3A_244], %broadcast_in_dim3A_32 {add = true} : memref<5888xf32, #tpu.memory_space<vmem>>[vector<16xi32>], vector<16xf32>,
      tpu.vector_store_idx %arg6[%add3A_245], %broadcast_in_dim3A_32 {add = true} : memref<5888xf32, #tpu.memory_space<vmem>>[vector<16xi32>], vector<16xf32>,
    }
    %scan3A_65 = arith.constant 64 : i32
    %add3A_66 = arith.constant 384 : i32
    %add3A_67 = arith.addi %select_n3A, %add3A_66 : i32
    %multiple_of3A_68 = tpu.assume_multiple %add3A_67, 8 : i32
    %dma_start3A_69 = arith.constant 0 : i32
    %dma_start3A_70 = tpu.memref_slice %arg2[%multiple_of3A_68, %dma_start3A_69] : memref<16384x128xi32, #tpu.memory_space<hbm>> -> memref<128x128xi32, #tpu.memory_space<hbm>>
    %dma_start3A_71 = arith.constant 0 : i32
    %dma_start3A_72 = tpu.memref_slice %arg2[%multiple_of3A_68, %dma_start3A_71] : memref<16384x128xi32, #tpu.memory_space<hbm>> -> memref<128x128xi32, #tpu.memory_space<hbm>>
    tpu.enqueue_dma source(%dma_start3A_72 : memref<128x128xi32, #tpu.memory_space<hbm>>) target(%arg5 : memref<128x128xi32, #tpu.memory_space<vmem>>) target_semaphore(%arg12 : memref<!tpu.dma_semaphore, #tpu.memory_space<semaphore_mem>>)
    %dma_wait3A_73 = arith.constant 0 : i32
    %dma_wait3A_74 = tpu.memref_slice %arg2[%multiple_of3A_51, %dma_wait3A_73] : memref<16384x128xi32, #tpu.memory_space<hbm>> -> memref<128x128xi32, #tpu.memory_space<hbm>>
    %dma_wait3A_75 = arith.constant 0 : i32
    %dma_wait3A_76 = tpu.memref_slice %arg2[%multiple_of3A_51, %dma_wait3A_75] : memref<16384x128xi32, #tpu.memory_space<hbm>> -> memref<128x128xi32, #tpu.memory_space<hbm>>
    tpu.wait_dma2 semaphore(%arg11 : memref<!tpu.dma_semaphore, #tpu.memory_space<semaphore_mem>>) src(%dma_wait3A_76 : memref<128x128xi32, #tpu.memory_space<hbm>>) dst(%arg4 : memref<128x128xi32, #tpu.memory_space<vmem>>)
    %scan3A_77 = arith.constant 0 : i32
    %scan3A_78 = arith.constant 0 : i32
    %scan3A_79 = arith.constant 64 : i32
    %scan3A_80 = arith.addi %scan3A_78, %scan3A_79 : i32
    %scan3A_81 = arith.constant 1 : i32
    scf.for %scan3A_118 = %scan3A_78 to %scan3A_80 step %scan3A_81  : i32 {
      %mul3A_119 = arith.constant 2 : i32
      %mul3A_120 = arith.muli %scan3A_118, %mul3A_119 : i32
      %add3A_121 = arith.constant 0 : i32
      %add3A_122 = arith.addi %mul3A_120, %add3A_121 : i32
      %get3A = arith.index_cast %add3A_122 : i32 to index
      %get3A_123 = arith.constant 0 : index
      %get3A_124 = tpu.vector_load %arg4[%get3A, %get3A_123] {strides = array<i32>} : memref<128x128xi32, #tpu.memory_space<vmem>>, vector<16xi32>,
      %mul3A_125 = arith.constant 2 : i32
      %mul3A_126 = arith.muli %scan3A_118, %mul3A_125 : i32
      %add3A_127 = arith.constant 0 : i32
      %add3A_128 = arith.addi %mul3A_126, %add3A_127 : i32
      %get3A_129 = arith.index_cast %add3A_128 : i32 to index
      %get3A_130 = arith.constant 16 : index
      %get3A_131 = tpu.vector_load %arg4[%get3A_129, %get3A_130] {strides = array<i32>} : memref<128x128xi32, #tpu.memory_space<vmem>>, vector<16xi32>,
      %mul3A_132 = arith.constant 2 : i32
      %mul3A_133 = arith.muli %scan3A_118, %mul3A_132 : i32
      %add3A_134 = arith.constant 0 : i32
      %add3A_135 = arith.addi %mul3A_133, %add3A_134 : i32
      %get3A_136 = arith.index_cast %add3A_135 : i32 to index
      %get3A_137 = arith.constant 32 : index
      %get3A_138 = tpu.vector_load %arg4[%get3A_136, %get3A_137] {strides = array<i32>} : memref<128x128xi32, #tpu.memory_space<vmem>>, vector<16xi32>,
      %mul3A_139 = arith.constant 2 : i32
      %mul3A_140 = arith.muli %scan3A_118, %mul3A_139 : i32
      %add3A_141 = arith.constant 0 : i32
      %add3A_142 = arith.addi %mul3A_140, %add3A_141 : i32
      %get3A_143 = arith.index_cast %add3A_142 : i32 to index
      %get3A_144 = arith.constant 48 : index
      %get3A_145 = tpu.vector_load %arg4[%get3A_143, %get3A_144] {strides = array<i32>} : memref<128x128xi32, #tpu.memory_space<vmem>>, vector<16xi32>,
      %mul3A_146 = arith.constant 2 : i32
      %mul3A_147 = arith.muli %scan3A_118, %mul3A_146 : i32
      %add3A_148 = arith.constant 0 : i32
      %add3A_149 = arith.addi %mul3A_147, %add3A_148 : i32
      %get3A_150 = arith.index_cast %add3A_149 : i32 to index
      %get3A_151 = arith.constant 64 : index
      %get3A_152 = tpu.vector_load %arg4[%get3A_150, %get3A_151] {strides = array<i32>} : memref<128x128xi32, #tpu.memory_space<vmem>>, vector<16xi32>,
      %mul3A_153 = arith.constant 2 : i32
      %mul3A_154 = arith.muli %scan3A_118, %mul3A_153 : i32
      %add3A_155 = arith.constant 0 : i32
      %add3A_156 = arith.addi %mul3A_154, %add3A_155 : i32
      %get3A_157 = arith.index_cast %add3A_156 : i32 to index
      %get3A_158 = arith.constant 80 : index
      %get3A_159 = tpu.vector_load %arg4[%get3A_157, %get3A_158] {strides = array<i32>} : memref<128x128xi32, #tpu.memory_space<vmem>>, vector<16xi32>,
      %mul3A_160 = arith.constant 2 : i32
      %mul3A_161 = arith.muli %scan3A_118, %mul3A_160 : i32
      %add3A_162 = arith.constant 0 : i32
      %add3A_163 = arith.addi %mul3A_161, %add3A_162 : i32
      %get3A_164 = arith.index_cast %add3A_163 : i32 to index
      %get3A_165 = arith.constant 96 : index
      %get3A_166 = tpu.vector_load %arg4[%get3A_164, %get3A_165] {strides = array<i32>} : memref<128x128xi32, #tpu.memory_space<vmem>>, vector<16xi32>,
      %mul3A_167 = arith.constant 2 : i32
      %mul3A_168 = arith.muli %scan3A_118, %mul3A_167 : i32
      %add3A_169 = arith.constant 0 : i32
      %add3A_170 = arith.addi %mul3A_168, %add3A_169 : i32
      %get3A_171 = arith.index_cast %add3A_170 : i32 to index
      %get3A_172 = arith.constant 112 : index
      %get3A_173 = tpu.vector_load %arg4[%get3A_171, %get3A_172] {strides = array<i32>} : memref<128x128xi32, #tpu.memory_space<vmem>>, vector<16xi32>,
      %mul3A_174 = arith.constant 2 : i32
      %mul3A_175 = arith.muli %scan3A_118, %mul3A_174 : i32
      %add3A_176 = arith.constant 1 : i32
      %add3A_177 = arith.addi %mul3A_175, %add3A_176 : i32
      %get3A_178 = arith.index_cast %add3A_177 : i32 to index
      %get3A_179 = arith.constant 0 : index
      %get3A_180 = tpu.vector_load %arg4[%get3A_178, %get3A_179] {strides = array<i32>} : memref<128x128xi32, #tpu.memory_space<vmem>>, vector<16xi32>,
      %mul3A_181 = arith.constant 2 : i32
      %mul3A_182 = arith.muli %scan3A_118, %mul3A_181 : i32
      %add3A_183 = arith.constant 1 : i32
      %add3A_184 = arith.addi %mul3A_182, %add3A_183 : i32
      %get3A_185 = arith.index_cast %add3A_184 : i32 to index
      %get3A_186 = arith.constant 16 : index
      %get3A_187 = tpu.vector_load %arg4[%get3A_185, %get3A_186] {strides = array<i32>} : memref<128x128xi32, #tpu.memory_space<vmem>>, vector<16xi32>,
      %mul3A_188 = arith.constant 2 : i32
      %mul3A_189 = arith.muli %scan3A_118, %mul3A_188 : i32
      %add3A_190 = arith.constant 1 : i32
      %add3A_191 = arith.addi %mul3A_189, %add3A_190 : i32
      %get3A_192 = arith.index_cast %add3A_191 : i32 to index
      %get3A_193 = arith.constant 32 : index
      %get3A_194 = tpu.vector_load %arg4[%get3A_192, %get3A_193] {strides = array<i32>} : memref<128x128xi32, #tpu.memory_space<vmem>>, vector<16xi32>,
      %mul3A_195 = arith.constant 2 : i32
      %mul3A_196 = arith.muli %scan3A_118, %mul3A_195 : i32
      %add3A_197 = arith.constant 1 : i32
      %add3A_198 = arith.addi %mul3A_196, %add3A_197 : i32
      %get3A_199 = arith.index_cast %add3A_198 : i32 to index
      %get3A_200 = arith.constant 48 : index
      %get3A_201 = tpu.vector_load %arg4[%get3A_199, %get3A_200] {strides = array<i32>} : memref<128x128xi32, #tpu.memory_space<vmem>>, vector<16xi32>,
      %mul3A_202 = arith.constant 2 : i32
      %mul3A_203 = arith.muli %scan3A_118, %mul3A_202 : i32
      %add3A_204 = arith.constant 1 : i32
      %add3A_205 = arith.addi %mul3A_203, %add3A_204 : i32
      %get3A_206 = arith.index_cast %add3A_205 : i32 to index
      %get3A_207 = arith.constant 64 : index
      %get3A_208 = tpu.vector_load %arg4[%get3A_206, %get3A_207] {strides = array<i32>} : memref<128x128xi32, #tpu.memory_space<vmem>>, vector<16xi32>,
      %mul3A_209 = arith.constant 2 : i32
      %mul3A_210 = arith.muli %scan3A_118, %mul3A_209 : i32
      %add3A_211 = arith.constant 1 : i32
      %add3A_212 = arith.addi %mul3A_210, %add3A_211 : i32
      %get3A_213 = arith.index_cast %add3A_212 : i32 to index
      %get3A_214 = arith.constant 80 : index
      %get3A_215 = tpu.vector_load %arg4[%get3A_213, %get3A_214] {strides = array<i32>} : memref<128x128xi32, #tpu.memory_space<vmem>>, vector<16xi32>,
      %mul3A_216 = arith.constant 2 : i32
      %mul3A_217 = arith.muli %scan3A_118, %mul3A_216 : i32
      %add3A_218 = arith.constant 1 : i32
      %add3A_219 = arith.addi %mul3A_217, %add3A_218 : i32
      %get3A_220 = arith.index_cast %add3A_219 : i32 to index
      %get3A_221 = arith.constant 96 : index
      %get3A_222 = tpu.vector_load %arg4[%get3A_220, %get3A_221] {strides = array<i32>} : memref<128x128xi32, #tpu.memory_space<vmem>>, vector<16xi32>,
      %mul3A_223 = arith.constant 2 : i32
      %mul3A_224 = arith.muli %scan3A_118, %mul3A_223 : i32
      %add3A_225 = arith.constant 1 : i32
      %add3A_226 = arith.addi %mul3A_224, %add3A_225 : i32
      %get3A_227 = arith.index_cast %add3A_226 : i32 to index
      %get3A_228 = arith.constant 112 : index
      %get3A_229 = tpu.vector_load %arg4[%get3A_227, %get3A_228] {strides = array<i32>} : memref<128x128xi32, #tpu.memory_space<vmem>>, vector<16xi32>,
      %add3A_230 = arith.addi %mul3A_30, %get3A_124 : vector<16xi32>
      %add3A_231 = arith.addi %mul3A_30, %get3A_131 : vector<16xi32>
      %add3A_232 = arith.addi %mul3A_30, %get3A_138 : vector<16xi32>
      %add3A_233 = arith.addi %mul3A_30, %get3A_145 : vector<16xi32>
      %add3A_234 = arith.addi %mul3A_30, %get3A_152 : vector<16xi32>
      %add3A_235 = arith.addi %mul3A_30, %get3A_159 : vector<16xi32>
      %add3A_236 = arith.addi %mul3A_30, %get3A_166 : vector<16xi32>
      %add3A_237 = arith.addi %mul3A_30, %get3A_173 : vector<16xi32>
      %add3A_238 = arith.addi %mul3A_30, %get3A_180 : vector<16xi32>
      %add3A_239 = arith.addi %mul3A_30, %get3A_187 : vector<16xi32>
      %add3A_240 = arith.addi %mul3A_30, %get3A_194 : vector<16xi32>
      %add3A_241 = arith.addi %mul3A_30, %get3A_201 : vector<16xi32>
      %add3A_242 = arith.addi %mul3A_30, %get3A_208 : vector<16xi32>
      %add3A_243 = arith.addi %mul3A_30, %get3A_215 : vector<16xi32>
      %add3A_244 = arith.addi %mul3A_30, %get3A_222 : vector<16xi32>
      %add3A_245 = arith.addi %mul3A_30, %get3A_229 : vector<16xi32>
      tpu.vector_store_idx %arg6[%add3A_230], %broadcast_in_dim3A_32 {add = true} : memref<5888xf32, #tpu.memory_space<vmem>>[vector<16xi32>], vector<16xf32>,
      tpu.vector_store_idx %arg6[%add3A_231], %broadcast_in_dim3A_32 {add = true} : memref<5888xf32, #tpu.memory_space<vmem>>[vector<16xi32>], vector<16xf32>,
      tpu.vector_store_idx %arg6[%add3A_232], %broadcast_in_dim3A_32 {add = true} : memref<5888xf32, #tpu.memory_space<vmem>>[vector<16xi32>], vector<16xf32>,
      tpu.vector_store_idx %arg6[%add3A_233], %broadcast_in_dim3A_32 {add = true} : memref<5888xf32, #tpu.memory_space<vmem>>[vector<16xi32>], vector<16xf32>,
      tpu.vector_store_idx %arg6[%add3A_234], %broadcast_in_dim3A_32 {add = true} : memref<5888xf32, #tpu.memory_space<vmem>>[vector<16xi32>], vector<16xf32>,
      tpu.vector_store_idx %arg6[%add3A_235], %broadcast_in_dim3A_32 {add = true} : memref<5888xf32, #tpu.memory_space<vmem>>[vector<16xi32>], vector<16xf32>,
      tpu.vector_store_idx %arg6[%add3A_236], %broadcast_in_dim3A_32 {add = true} : memref<5888xf32, #tpu.memory_space<vmem>>[vector<16xi32>], vector<16xf32>,
      tpu.vector_store_idx %arg6[%add3A_237], %broadcast_in_dim3A_32 {add = true} : memref<5888xf32, #tpu.memory_space<vmem>>[vector<16xi32>], vector<16xf32>,
      tpu.vector_store_idx %arg6[%add3A_238], %broadcast_in_dim3A_32 {add = true} : memref<5888xf32, #tpu.memory_space<vmem>>[vector<16xi32>], vector<16xf32>,
      tpu.vector_store_idx %arg6[%add3A_239], %broadcast_in_dim3A_32 {add = true} : memref<5888xf32, #tpu.memory_space<vmem>>[vector<16xi32>], vector<16xf32>,
      tpu.vector_store_idx %arg6[%add3A_240], %broadcast_in_dim3A_32 {add = true} : memref<5888xf32, #tpu.memory_space<vmem>>[vector<16xi32>], vector<16xf32>,
      tpu.vector_store_idx %arg6[%add3A_241], %broadcast_in_dim3A_32 {add = true} : memref<5888xf32, #tpu.memory_space<vmem>>[vector<16xi32>], vector<16xf32>,
      tpu.vector_store_idx %arg6[%add3A_242], %broadcast_in_dim3A_32 {add = true} : memref<5888xf32, #tpu.memory_space<vmem>>[vector<16xi32>], vector<16xf32>,
      tpu.vector_store_idx %arg6[%add3A_243], %broadcast_in_dim3A_32 {add = true} : memref<5888xf32, #tpu.memory_space<vmem>>[vector<16xi32>], vector<16xf32>,
      tpu.vector_store_idx %arg6[%add3A_244], %broadcast_in_dim3A_32 {add = true} : memref<5888xf32, #tpu.memory_space<vmem>>[vector<16xi32>], vector<16xf32>,
      tpu.vector_store_idx %arg6[%add3A_245], %broadcast_in_dim3A_32 {add = true} : memref<5888xf32, #tpu.memory_space<vmem>>[vector<16xi32>], vector<16xf32>,
    }
    %scan3A_82 = arith.constant 64 : i32
    %dma_wait3A_83 = arith.constant 0 : i32
    %dma_wait3A_84 = tpu.memref_slice %arg2[%multiple_of3A_68, %dma_wait3A_83] : memref<16384x128xi32, #tpu.memory_space<hbm>> -> memref<128x128xi32, #tpu.memory_space<hbm>>
    %dma_wait3A_85 = arith.constant 0 : i32
    %dma_wait3A_86 = tpu.memref_slice %arg2[%multiple_of3A_68, %dma_wait3A_85] : memref<16384x128xi32, #tpu.memory_space<hbm>> -> memref<128x128xi32, #tpu.memory_space<hbm>>
    tpu.wait_dma2 semaphore(%arg12 : memref<!tpu.dma_semaphore, #tpu.memory_space<semaphore_mem>>) src(%dma_wait3A_86 : memref<128x128xi32, #tpu.memory_space<hbm>>) dst(%arg5 : memref<128x128xi32, #tpu.memory_space<vmem>>)
    %scan3A_87 = arith.constant 0 : i32
    %scan3A_88 = arith.constant 0 : i32
    %scan3A_89 = arith.constant 64 : i32
    %scan3A_90 = arith.addi %scan3A_88, %scan3A_89 : i32
    %scan3A_91 = arith.constant 1 : i32
    scf.for %scan3A_118 = %scan3A_88 to %scan3A_90 step %scan3A_91  : i32 {
      %mul3A_119 = arith.constant 2 : i32
      %mul3A_120 = arith.muli %scan3A_118, %mul3A_119 : i32
      %add3A_121 = arith.constant 0 : i32
      %add3A_122 = arith.addi %mul3A_120, %add3A_121 : i32
      %get3A = arith.index_cast %add3A_122 : i32 to index
      %get3A_123 = arith.constant 0 : index
      %get3A_124 = tpu.vector_load %arg5[%get3A, %get3A_123] {strides = array<i32>} : memref<128x128xi32, #tpu.memory_space<vmem>>, vector<16xi32>,
      %mul3A_125 = arith.constant 2 : i32
      %mul3A_126 = arith.muli %scan3A_118, %mul3A_125 : i32
      %add3A_127 = arith.constant 0 : i32
      %add3A_128 = arith.addi %mul3A_126, %add3A_127 : i32
      %get3A_129 = arith.index_cast %add3A_128 : i32 to index
      %get3A_130 = arith.constant 16 : index
      %get3A_131 = tpu.vector_load %arg5[%get3A_129, %get3A_130] {strides = array<i32>} : memref<128x128xi32, #tpu.memory_space<vmem>>, vector<16xi32>,
      %mul3A_132 = arith.constant 2 : i32
      %mul3A_133 = arith.muli %scan3A_118, %mul3A_132 : i32
      %add3A_134 = arith.constant 0 : i32
      %add3A_135 = arith.addi %mul3A_133, %add3A_134 : i32
      %get3A_136 = arith.index_cast %add3A_135 : i32 to index
      %get3A_137 = arith.constant 32 : index
      %get3A_138 = tpu.vector_load %arg5[%get3A_136, %get3A_137] {strides = array<i32>} : memref<128x128xi32, #tpu.memory_space<vmem>>, vector<16xi32>,
      %mul3A_139 = arith.constant 2 : i32
      %mul3A_140 = arith.muli %scan3A_118, %mul3A_139 : i32
      %add3A_141 = arith.constant 0 : i32
      %add3A_142 = arith.addi %mul3A_140, %add3A_141 : i32
      %get3A_143 = arith.index_cast %add3A_142 : i32 to index
      %get3A_144 = arith.constant 48 : index
      %get3A_145 = tpu.vector_load %arg5[%get3A_143, %get3A_144] {strides = array<i32>} : memref<128x128xi32, #tpu.memory_space<vmem>>, vector<16xi32>,
      %mul3A_146 = arith.constant 2 : i32
      %mul3A_147 = arith.muli %scan3A_118, %mul3A_146 : i32
      %add3A_148 = arith.constant 0 : i32
      %add3A_149 = arith.addi %mul3A_147, %add3A_148 : i32
      %get3A_150 = arith.index_cast %add3A_149 : i32 to index
      %get3A_151 = arith.constant 64 : index
      %get3A_152 = tpu.vector_load %arg5[%get3A_150, %get3A_151] {strides = array<i32>} : memref<128x128xi32, #tpu.memory_space<vmem>>, vector<16xi32>,
      %mul3A_153 = arith.constant 2 : i32
      %mul3A_154 = arith.muli %scan3A_118, %mul3A_153 : i32
      %add3A_155 = arith.constant 0 : i32
      %add3A_156 = arith.addi %mul3A_154, %add3A_155 : i32
      %get3A_157 = arith.index_cast %add3A_156 : i32 to index
      %get3A_158 = arith.constant 80 : index
      %get3A_159 = tpu.vector_load %arg5[%get3A_157, %get3A_158] {strides = array<i32>} : memref<128x128xi32, #tpu.memory_space<vmem>>, vector<16xi32>,
      %mul3A_160 = arith.constant 2 : i32
      %mul3A_161 = arith.muli %scan3A_118, %mul3A_160 : i32
      %add3A_162 = arith.constant 0 : i32
      %add3A_163 = arith.addi %mul3A_161, %add3A_162 : i32
      %get3A_164 = arith.index_cast %add3A_163 : i32 to index
      %get3A_165 = arith.constant 96 : index
      %get3A_166 = tpu.vector_load %arg5[%get3A_164, %get3A_165] {strides = array<i32>} : memref<128x128xi32, #tpu.memory_space<vmem>>, vector<16xi32>,
      %mul3A_167 = arith.constant 2 : i32
      %mul3A_168 = arith.muli %scan3A_118, %mul3A_167 : i32
      %add3A_169 = arith.constant 0 : i32
      %add3A_170 = arith.addi %mul3A_168, %add3A_169 : i32
      %get3A_171 = arith.index_cast %add3A_170 : i32 to index
      %get3A_172 = arith.constant 112 : index
      %get3A_173 = tpu.vector_load %arg5[%get3A_171, %get3A_172] {strides = array<i32>} : memref<128x128xi32, #tpu.memory_space<vmem>>, vector<16xi32>,
      %mul3A_174 = arith.constant 2 : i32
      %mul3A_175 = arith.muli %scan3A_118, %mul3A_174 : i32
      %add3A_176 = arith.constant 1 : i32
      %add3A_177 = arith.addi %mul3A_175, %add3A_176 : i32
      %get3A_178 = arith.index_cast %add3A_177 : i32 to index
      %get3A_179 = arith.constant 0 : index
      %get3A_180 = tpu.vector_load %arg5[%get3A_178, %get3A_179] {strides = array<i32>} : memref<128x128xi32, #tpu.memory_space<vmem>>, vector<16xi32>,
      %mul3A_181 = arith.constant 2 : i32
      %mul3A_182 = arith.muli %scan3A_118, %mul3A_181 : i32
      %add3A_183 = arith.constant 1 : i32
      %add3A_184 = arith.addi %mul3A_182, %add3A_183 : i32
      %get3A_185 = arith.index_cast %add3A_184 : i32 to index
      %get3A_186 = arith.constant 16 : index
      %get3A_187 = tpu.vector_load %arg5[%get3A_185, %get3A_186] {strides = array<i32>} : memref<128x128xi32, #tpu.memory_space<vmem>>, vector<16xi32>,
      %mul3A_188 = arith.constant 2 : i32
      %mul3A_189 = arith.muli %scan3A_118, %mul3A_188 : i32
      %add3A_190 = arith.constant 1 : i32
      %add3A_191 = arith.addi %mul3A_189, %add3A_190 : i32
      %get3A_192 = arith.index_cast %add3A_191 : i32 to index
      %get3A_193 = arith.constant 32 : index
      %get3A_194 = tpu.vector_load %arg5[%get3A_192, %get3A_193] {strides = array<i32>} : memref<128x128xi32, #tpu.memory_space<vmem>>, vector<16xi32>,
      %mul3A_195 = arith.constant 2 : i32
      %mul3A_196 = arith.muli %scan3A_118, %mul3A_195 : i32
      %add3A_197 = arith.constant 1 : i32
      %add3A_198 = arith.addi %mul3A_196, %add3A_197 : i32
      %get3A_199 = arith.index_cast %add3A_198 : i32 to index
      %get3A_200 = arith.constant 48 : index
      %get3A_201 = tpu.vector_load %arg5[%get3A_199, %get3A_200] {strides = array<i32>} : memref<128x128xi32, #tpu.memory_space<vmem>>, vector<16xi32>,
      %mul3A_202 = arith.constant 2 : i32
      %mul3A_203 = arith.muli %scan3A_118, %mul3A_202 : i32
      %add3A_204 = arith.constant 1 : i32
      %add3A_205 = arith.addi %mul3A_203, %add3A_204 : i32
      %get3A_206 = arith.index_cast %add3A_205 : i32 to index
      %get3A_207 = arith.constant 64 : index
      %get3A_208 = tpu.vector_load %arg5[%get3A_206, %get3A_207] {strides = array<i32>} : memref<128x128xi32, #tpu.memory_space<vmem>>, vector<16xi32>,
      %mul3A_209 = arith.constant 2 : i32
      %mul3A_210 = arith.muli %scan3A_118, %mul3A_209 : i32
      %add3A_211 = arith.constant 1 : i32
      %add3A_212 = arith.addi %mul3A_210, %add3A_211 : i32
      %get3A_213 = arith.index_cast %add3A_212 : i32 to index
      %get3A_214 = arith.constant 80 : index
      %get3A_215 = tpu.vector_load %arg5[%get3A_213, %get3A_214] {strides = array<i32>} : memref<128x128xi32, #tpu.memory_space<vmem>>, vector<16xi32>,
      %mul3A_216 = arith.constant 2 : i32
      %mul3A_217 = arith.muli %scan3A_118, %mul3A_216 : i32
      %add3A_218 = arith.constant 1 : i32
      %add3A_219 = arith.addi %mul3A_217, %add3A_218 : i32
      %get3A_220 = arith.index_cast %add3A_219 : i32 to index
      %get3A_221 = arith.constant 96 : index
      %get3A_222 = tpu.vector_load %arg5[%get3A_220, %get3A_221] {strides = array<i32>} : memref<128x128xi32, #tpu.memory_space<vmem>>, vector<16xi32>,
      %mul3A_223 = arith.constant 2 : i32
      %mul3A_224 = arith.muli %scan3A_118, %mul3A_223 : i32
      %add3A_225 = arith.constant 1 : i32
      %add3A_226 = arith.addi %mul3A_224, %add3A_225 : i32
      %get3A_227 = arith.index_cast %add3A_226 : i32 to index
      %get3A_228 = arith.constant 112 : index
      %get3A_229 = tpu.vector_load %arg5[%get3A_227, %get3A_228] {strides = array<i32>} : memref<128x128xi32, #tpu.memory_space<vmem>>, vector<16xi32>,
      %add3A_230 = arith.addi %mul3A_30, %get3A_124 : vector<16xi32>
      %add3A_231 = arith.addi %mul3A_30, %get3A_131 : vector<16xi32>
      %add3A_232 = arith.addi %mul3A_30, %get3A_138 : vector<16xi32>
      %add3A_233 = arith.addi %mul3A_30, %get3A_145 : vector<16xi32>
      %add3A_234 = arith.addi %mul3A_30, %get3A_152 : vector<16xi32>
      %add3A_235 = arith.addi %mul3A_30, %get3A_159 : vector<16xi32>
      %add3A_236 = arith.addi %mul3A_30, %get3A_166 : vector<16xi32>
      %add3A_237 = arith.addi %mul3A_30, %get3A_173 : vector<16xi32>
      %add3A_238 = arith.addi %mul3A_30, %get3A_180 : vector<16xi32>
      %add3A_239 = arith.addi %mul3A_30, %get3A_187 : vector<16xi32>
      %add3A_240 = arith.addi %mul3A_30, %get3A_194 : vector<16xi32>
      %add3A_241 = arith.addi %mul3A_30, %get3A_201 : vector<16xi32>
      %add3A_242 = arith.addi %mul3A_30, %get3A_208 : vector<16xi32>
      %add3A_243 = arith.addi %mul3A_30, %get3A_215 : vector<16xi32>
      %add3A_244 = arith.addi %mul3A_30, %get3A_222 : vector<16xi32>
      %add3A_245 = arith.addi %mul3A_30, %get3A_229 : vector<16xi32>
      tpu.vector_store_idx %arg6[%add3A_230], %broadcast_in_dim3A_32 {add = true} : memref<5888xf32, #tpu.memory_space<vmem>>[vector<16xi32>], vector<16xf32>,
      tpu.vector_store_idx %arg6[%add3A_231], %broadcast_in_dim3A_32 {add = true} : memref<5888xf32, #tpu.memory_space<vmem>>[vector<16xi32>], vector<16xf32>,
      tpu.vector_store_idx %arg6[%add3A_232], %broadcast_in_dim3A_32 {add = true} : memref<5888xf32, #tpu.memory_space<vmem>>[vector<16xi32>], vector<16xf32>,
      tpu.vector_store_idx %arg6[%add3A_233], %broadcast_in_dim3A_32 {add = true} : memref<5888xf32, #tpu.memory_space<vmem>>[vector<16xi32>], vector<16xf32>,
      tpu.vector_store_idx %arg6[%add3A_234], %broadcast_in_dim3A_32 {add = true} : memref<5888xf32, #tpu.memory_space<vmem>>[vector<16xi32>], vector<16xf32>,
      tpu.vector_store_idx %arg6[%add3A_235], %broadcast_in_dim3A_32 {add = true} : memref<5888xf32, #tpu.memory_space<vmem>>[vector<16xi32>], vector<16xf32>,
      tpu.vector_store_idx %arg6[%add3A_236], %broadcast_in_dim3A_32 {add = true} : memref<5888xf32, #tpu.memory_space<vmem>>[vector<16xi32>], vector<16xf32>,
      tpu.vector_store_idx %arg6[%add3A_237], %broadcast_in_dim3A_32 {add = true} : memref<5888xf32, #tpu.memory_space<vmem>>[vector<16xi32>], vector<16xf32>,
      tpu.vector_store_idx %arg6[%add3A_238], %broadcast_in_dim3A_32 {add = true} : memref<5888xf32, #tpu.memory_space<vmem>>[vector<16xi32>], vector<16xf32>,
      tpu.vector_store_idx %arg6[%add3A_239], %broadcast_in_dim3A_32 {add = true} : memref<5888xf32, #tpu.memory_space<vmem>>[vector<16xi32>], vector<16xf32>,
      tpu.vector_store_idx %arg6[%add3A_240], %broadcast_in_dim3A_32 {add = true} : memref<5888xf32, #tpu.memory_space<vmem>>[vector<16xi32>], vector<16xf32>,
      tpu.vector_store_idx %arg6[%add3A_241], %broadcast_in_dim3A_32 {add = true} : memref<5888xf32, #tpu.memory_space<vmem>>[vector<16xi32>], vector<16xf32>,
      tpu.vector_store_idx %arg6[%add3A_242], %broadcast_in_dim3A_32 {add = true} : memref<5888xf32, #tpu.memory_space<vmem>>[vector<16xi32>], vector<16xf32>,
      tpu.vector_store_idx %arg6[%add3A_243], %broadcast_in_dim3A_32 {add = true} : memref<5888xf32, #tpu.memory_space<vmem>>[vector<16xi32>], vector<16xf32>,
      tpu.vector_store_idx %arg6[%add3A_244], %broadcast_in_dim3A_32 {add = true} : memref<5888xf32, #tpu.memory_space<vmem>>[vector<16xi32>], vector<16xf32>,
      tpu.vector_store_idx %arg6[%add3A_245], %broadcast_in_dim3A_32 {add = true} : memref<5888xf32, #tpu.memory_space<vmem>>[vector<16xi32>], vector<16xf32>,
    }
    %scan3A_92 = arith.constant 64 : i32
    %scan3A_93 = arith.constant 0 : i32
    %scan3A_94 = arith.constant 0 : i32
    %scan3A_95 = arith.constant 23 : i32
    %scan3A_96 = arith.addi %scan3A_94, %scan3A_95 : i32
    %scan3A_97 = arith.constant 1 : i32
    scf.for %scan3A_118 = %scan3A_94 to %scan3A_96 step %scan3A_97  : i32 {
      %mul3A_119 = arith.constant 16 : i32
      %mul3A_120 = arith.muli %scan3A_118, %mul3A_119 : i32
      %get3A = arith.index_cast %mul3A_120 : i32 to index
      %get3A_121 = tpu.vector_load %arg6[%get3A] {strides = array<i32>} : memref<5888xf32, #tpu.memory_space<vmem>>, vector<16xf32>,
      %mul3A_122 = arith.constant 16 : i32
      %mul3A_123 = arith.muli %scan3A_118, %mul3A_122 : i32
      %add3A_124 = arith.constant 368 : i32
      %add3A_125 = arith.addi %add3A_124, %mul3A_123 : i32
      %get3A_126 = arith.index_cast %add3A_125 : i32 to index
      %get3A_127 = tpu.vector_load %arg6[%get3A_126] {strides = array<i32>} : memref<5888xf32, #tpu.memory_space<vmem>>, vector<16xf32>,
      %add3A_128 = arith.addf %get3A_121, %get3A_127 : vector<16xf32>
      %mul3A_129 = arith.constant 16 : i32
      %mul3A_130 = arith.muli %scan3A_118, %mul3A_129 : i32
      %add3A_131 = arith.constant 736 : i32
      %add3A_132 = arith.addi %add3A_131, %mul3A_130 : i32
      %get3A_133 = arith.index_cast %add3A_132 : i32 to index
      %get3A_134 = tpu.vector_load %arg6[%get3A_133] {strides = array<i32>} : memref<5888xf32, #tpu.memory_space<vmem>>, vector<16xf32>,
      %add3A_135 = arith.addf %add3A_128, %get3A_134 : vector<16xf32>
      %mul3A_136 = arith.constant 16 : i32
      %mul3A_137 = arith.muli %scan3A_118, %mul3A_136 : i32
      %add3A_138 = arith.constant 1104 : i32
      %add3A_139 = arith.addi %add3A_138, %mul3A_137 : i32
      %get3A_140 = arith.index_cast %add3A_139 : i32 to index
      %get3A_141 = tpu.vector_load %arg6[%get3A_140] {strides = array<i32>} : memref<5888xf32, #tpu.memory_space<vmem>>, vector<16xf32>,
      %add3A_142 = arith.addf %add3A_135, %get3A_141 : vector<16xf32>
      %mul3A_143 = arith.constant 16 : i32
      %mul3A_144 = arith.muli %scan3A_118, %mul3A_143 : i32
      %add3A_145 = arith.constant 1472 : i32
      %add3A_146 = arith.addi %add3A_145, %mul3A_144 : i32
      %get3A_147 = arith.index_cast %add3A_146 : i32 to index
      %get3A_148 = tpu.vector_load %arg6[%get3A_147] {strides = array<i32>} : memref<5888xf32, #tpu.memory_space<vmem>>, vector<16xf32>,
      %add3A_149 = arith.addf %add3A_142, %get3A_148 : vector<16xf32>
      %mul3A_150 = arith.constant 16 : i32
      %mul3A_151 = arith.muli %scan3A_118, %mul3A_150 : i32
      %add3A_152 = arith.constant 1840 : i32
      %add3A_153 = arith.addi %add3A_152, %mul3A_151 : i32
      %get3A_154 = arith.index_cast %add3A_153 : i32 to index
      %get3A_155 = tpu.vector_load %arg6[%get3A_154] {strides = array<i32>} : memref<5888xf32, #tpu.memory_space<vmem>>, vector<16xf32>,
      %add3A_156 = arith.addf %add3A_149, %get3A_155 : vector<16xf32>
      %mul3A_157 = arith.constant 16 : i32
      %mul3A_158 = arith.muli %scan3A_118, %mul3A_157 : i32
      %add3A_159 = arith.constant 2208 : i32
      %add3A_160 = arith.addi %add3A_159, %mul3A_158 : i32
      %get3A_161 = arith.index_cast %add3A_160 : i32 to index
      %get3A_162 = tpu.vector_load %arg6[%get3A_161] {strides = array<i32>} : memref<5888xf32, #tpu.memory_space<vmem>>, vector<16xf32>,
      %add3A_163 = arith.addf %add3A_156, %get3A_162 : vector<16xf32>
      %mul3A_164 = arith.constant 16 : i32
      %mul3A_165 = arith.muli %scan3A_118, %mul3A_164 : i32
      %add3A_166 = arith.constant 2576 : i32
      %add3A_167 = arith.addi %add3A_166, %mul3A_165 : i32
      %get3A_168 = arith.index_cast %add3A_167 : i32 to index
      %get3A_169 = tpu.vector_load %arg6[%get3A_168] {strides = array<i32>} : memref<5888xf32, #tpu.memory_space<vmem>>, vector<16xf32>,
      %add3A_170 = arith.addf %add3A_163, %get3A_169 : vector<16xf32>
      %mul3A_171 = arith.constant 16 : i32
      %mul3A_172 = arith.muli %scan3A_118, %mul3A_171 : i32
      %add3A_173 = arith.constant 2944 : i32
      %add3A_174 = arith.addi %add3A_173, %mul3A_172 : i32
      %get3A_175 = arith.index_cast %add3A_174 : i32 to index
      %get3A_176 = tpu.vector_load %arg6[%get3A_175] {strides = array<i32>} : memref<5888xf32, #tpu.memory_space<vmem>>, vector<16xf32>,
      %add3A_177 = arith.addf %add3A_170, %get3A_176 : vector<16xf32>
      %mul3A_178 = arith.constant 16 : i32
      %mul3A_179 = arith.muli %scan3A_118, %mul3A_178 : i32
      %add3A_180 = arith.constant 3312 : i32
      %add3A_181 = arith.addi %add3A_180, %mul3A_179 : i32
      %get3A_182 = arith.index_cast %add3A_181 : i32 to index
      %get3A_183 = tpu.vector_load %arg6[%get3A_182] {strides = array<i32>} : memref<5888xf32, #tpu.memory_space<vmem>>, vector<16xf32>,
      %add3A_184 = arith.addf %add3A_177, %get3A_183 : vector<16xf32>
      %mul3A_185 = arith.constant 16 : i32
      %mul3A_186 = arith.muli %scan3A_118, %mul3A_185 : i32
      %add3A_187 = arith.constant 3680 : i32
      %add3A_188 = arith.addi %add3A_187, %mul3A_186 : i32
      %get3A_189 = arith.index_cast %add3A_188 : i32 to index
      %get3A_190 = tpu.vector_load %arg6[%get3A_189] {strides = array<i32>} : memref<5888xf32, #tpu.memory_space<vmem>>, vector<16xf32>,
      %add3A_191 = arith.addf %add3A_184, %get3A_190 : vector<16xf32>
      %mul3A_192 = arith.constant 16 : i32
      %mul3A_193 = arith.muli %scan3A_118, %mul3A_192 : i32
      %add3A_194 = arith.constant 4048 : i32
      %add3A_195 = arith.addi %add3A_194, %mul3A_193 : i32
      %get3A_196 = arith.index_cast %add3A_195 : i32 to index
      %get3A_197 = tpu.vector_load %arg6[%get3A_196] {strides = array<i32>} : memref<5888xf32, #tpu.memory_space<vmem>>, vector<16xf32>,
      %add3A_198 = arith.addf %add3A_191, %get3A_197 : vector<16xf32>
      %mul3A_199 = arith.constant 16 : i32
      %mul3A_200 = arith.muli %scan3A_118, %mul3A_199 : i32
      %add3A_201 = arith.constant 4416 : i32
      %add3A_202 = arith.addi %add3A_201, %mul3A_200 : i32
      %get3A_203 = arith.index_cast %add3A_202 : i32 to index
      %get3A_204 = tpu.vector_load %arg6[%get3A_203] {strides = array<i32>} : memref<5888xf32, #tpu.memory_space<vmem>>, vector<16xf32>,
      %add3A_205 = arith.addf %add3A_198, %get3A_204 : vector<16xf32>
      %mul3A_206 = arith.constant 16 : i32
      %mul3A_207 = arith.muli %scan3A_118, %mul3A_206 : i32
      %add3A_208 = arith.constant 4784 : i32
      %add3A_209 = arith.addi %add3A_208, %mul3A_207 : i32
      %get3A_210 = arith.index_cast %add3A_209 : i32 to index
      %get3A_211 = tpu.vector_load %arg6[%get3A_210] {strides = array<i32>} : memref<5888xf32, #tpu.memory_space<vmem>>, vector<16xf32>,
      %add3A_212 = arith.addf %add3A_205, %get3A_211 : vector<16xf32>
      %mul3A_213 = arith.constant 16 : i32
      %mul3A_214 = arith.muli %scan3A_118, %mul3A_213 : i32
      %add3A_215 = arith.constant 5152 : i32
      %add3A_216 = arith.addi %add3A_215, %mul3A_214 : i32
      %get3A_217 = arith.index_cast %add3A_216 : i32 to index
      %get3A_218 = tpu.vector_load %arg6[%get3A_217] {strides = array<i32>} : memref<5888xf32, #tpu.memory_space<vmem>>, vector<16xf32>,
      %add3A_219 = arith.addf %add3A_212, %get3A_218 : vector<16xf32>
      %mul3A_220 = arith.constant 16 : i32
      %mul3A_221 = arith.muli %scan3A_118, %mul3A_220 : i32
      %add3A_222 = arith.constant 5520 : i32
      %add3A_223 = arith.addi %add3A_222, %mul3A_221 : i32
      %get3A_224 = arith.index_cast %add3A_223 : i32 to index
      %get3A_225 = tpu.vector_load %arg6[%get3A_224] {strides = array<i32>} : memref<5888xf32, #tpu.memory_space<vmem>>, vector<16xf32>,
      %add3A_226 = arith.addf %add3A_219, %get3A_225 : vector<16xf32>
      %mul3A_227 = arith.constant 16 : i32
      %mul3A_228 = arith.muli %scan3A_118, %mul3A_227 : i32
      %swap3A = arith.index_cast %mul3A_228 : i32 to index
      %swap3A_229 = tpu.vector_load %arg7[%swap3A] {strides = array<i32>} : memref<368xf32, #tpu.memory_space<vmem>>, vector<16xf32>,
      tpu.vector_store %arg7[%swap3A], %add3A_226 {strides = array<i32>} : memref<368xf32, #tpu.memory_space<vmem>>, vector<16xf32>,
    }
    %scan3A_98 = arith.constant 23 : i32
    %mul3A_99 = arith.constant 368 : i32
    %mul3A_100 = arith.muli %arg1, %mul3A_99 : i32
    "tpu.region"() ({
      %run_scoped3A = tpu.sem_alloc : memref<!tpu.dma_semaphore, #tpu.memory_space<semaphore_mem>>
      %dma_start3A_118 = tpu.memref_slice %arg10[%mul3A_100] : memref<5888xf32, #tpu.memory_space<vmem_shared>> -> memref<368xf32, #tpu.memory_space<vmem_shared>>
      %dma_start3A_119 = tpu.memref_slice %arg10[%mul3A_100] : memref<5888xf32, #tpu.memory_space<vmem_shared>> -> memref<368xf32, #tpu.memory_space<vmem_shared>>
      tpu.enqueue_dma source(%arg7 : memref<368xf32, #tpu.memory_space<vmem>>) target(%dma_start3A_119 : memref<368xf32, #tpu.memory_space<vmem_shared>>) target_semaphore(%run_scoped3A : memref<!tpu.dma_semaphore, #tpu.memory_space<semaphore_mem>>)
      %dma_wait3A_120 = tpu.memref_slice %arg10[%mul3A_100] : memref<5888xf32, #tpu.memory_space<vmem_shared>> -> memref<368xf32, #tpu.memory_space<vmem_shared>>
      %dma_wait3A_121 = tpu.memref_slice %arg10[%mul3A_100] : memref<5888xf32, #tpu.memory_space<vmem_shared>> -> memref<368xf32, #tpu.memory_space<vmem_shared>>
      tpu.wait_dma2 semaphore(%run_scoped3A : memref<!tpu.dma_semaphore, #tpu.memory_space<semaphore_mem>>) src(%arg7 : memref<368xf32, #tpu.memory_space<vmem>>) dst(%dma_wait3A_121 : memref<368xf32, #tpu.memory_space<vmem_shared>>)
      tpu.yield
    }) : () -> ()
    %barrier3A = arith.constant 0 : index
    tpu.barrier barrier_id(%barrier3A)
    %jit3A_101 = arith.constant 4 : i32
    %eq3A = arith.constant 0 : i32
    %eq3A_102 = arith.cmpi eq, %jit3A_101, %eq3A : i32
    %jit3A_103 = arith.constant 1 : i32
    %select_n3A_104 = arith.select %eq3A_102, %jit3A_103, %jit3A_101 : i32
    %rem3A_105 = arith.remsi %arg1, %select_n3A_104 : i32
    %ne3A_106 = arith.constant 0 : i32
    %ne3A_107 = arith.cmpi ne, %rem3A_105, %ne3A_106 : i32
    %lt3A = arith.constant 0 : i32
    %lt3A_108 = arith.cmpi slt, %rem3A_105, %lt3A : i32
    %lt3A_109 = arith.constant 0 : i32
    %lt3A_110 = arith.cmpi slt, %select_n3A_104, %lt3A_109 : i32
    %ne3A_111 = arith.xori %lt3A_108, %lt3A_110 : i1
    %and3A_112 = arith.andi %ne3A_111, %ne3A_107 : i1
    %add3A_113 = arith.addi %rem3A_105, %select_n3A_104 : i32
    %select_n3A_114 = arith.select %and3A_112, %add3A_113, %rem3A_105 : i32
    %eq3A_115 = arith.constant 0 : i32
    %eq3A_116 = arith.cmpi eq, %select_n3A_114, %eq3A_115 : i32
    %convert_element_type3A = arith.extui %eq3A_116 : i1 to i32
    %cond3A = arith.constant 0 : i32
    %cond3A_117 = arith.cmpi ne, %convert_element_type3A, %cond3A : i32
    scf.if %cond3A_117 {
      %mul3A_118 = arith.constant 4 : i32
      %mul3A_119 = arith.muli %arg0, %mul3A_118 : i32
      %jit3A_120 = arith.constant 4 : i32
      %div3A_121 = arith.divsi %arg1, %jit3A_120 : i32
      %sign3A_122 = arith.constant 0 : i32
      %sign3A_123 = arith.cmpi sgt, %arg1, %sign3A_122 : i32
      %sign3A_124 = arith.extui %sign3A_123 : i1 to i32
      %sign3A_125 = arith.constant 0 : i32
      %sign3A_126 = arith.cmpi slt, %arg1, %sign3A_125 : i32
      %sign3A_127 = arith.extui %sign3A_126 : i1 to i32
      %sign3A_128 = arith.subi %sign3A_124, %sign3A_127 : i32
      %sign3A_129 = arith.constant 0 : i32
      %sign3A_130 = arith.cmpi sgt, %jit3A_120, %sign3A_129 : i32
      %sign3A_131 = arith.extui %sign3A_130 : i1 to i32
      %sign3A_132 = arith.constant 0 : i32
      %sign3A_133 = arith.cmpi slt, %jit3A_120, %sign3A_132 : i32
      %sign3A_134 = arith.extui %sign3A_133 : i1 to i32
      %sign3A_135 = arith.subi %sign3A_131, %sign3A_134 : i32
      %ne3A_136 = arith.cmpi ne, %sign3A_128, %sign3A_135 : i32
      %rem3A_137 = arith.remsi %arg1, %jit3A_120 : i32
      %ne3A_138 = arith.constant 0 : i32
      %ne3A_139 = arith.cmpi ne, %rem3A_137, %ne3A_138 : i32
      %and3A_140 = arith.andi %ne3A_136, %ne3A_139 : i1
      %sub3A_141 = arith.constant 1 : i32
      %sub3A_142 = arith.subi %div3A_121, %sub3A_141 : i32
      %select_n3A_143 = arith.select %and3A_140, %sub3A_142, %div3A_121 : i32
      %add3A_144 = arith.addi %mul3A_119, %select_n3A_143 : i32
      %mul3A_145 = arith.constant 368 : i32
      %mul3A_146 = arith.muli %arg1, %mul3A_145 : i32
      "tpu.region"() ({
        %run_scoped3A = tpu.sem_alloc : memref<!tpu.dma_semaphore, #tpu.memory_space<semaphore_mem>>
        %dma_start3A_666 = tpu.memref_slice %arg10[%mul3A_146] : memref<5888xf32, #tpu.memory_space<vmem_shared>> -> memref<1472xf32, #tpu.memory_space<vmem_shared>>
        %dma_start3A_667 = tpu.memref_slice %arg10[%mul3A_146] : memref<5888xf32, #tpu.memory_space<vmem_shared>> -> memref<1472xf32, #tpu.memory_space<vmem_shared>>
        tpu.enqueue_dma source(%dma_start3A_667 : memref<1472xf32, #tpu.memory_space<vmem_shared>>) target(%arg8 : memref<1472xf32, #tpu.memory_space<vmem>>) target_semaphore(%run_scoped3A : memref<!tpu.dma_semaphore, #tpu.memory_space<semaphore_mem>>)
        %dma_wait3A_668 = tpu.memref_slice %arg10[%mul3A_146] : memref<5888xf32, #tpu.memory_space<vmem_shared>> -> memref<1472xf32, #tpu.memory_space<vmem_shared>>
        %dma_wait3A_669 = tpu.memref_slice %arg10[%mul3A_146] : memref<5888xf32, #tpu.memory_space<vmem_shared>> -> memref<1472xf32, #tpu.memory_space<vmem_shared>>
        tpu.wait_dma2 semaphore(%run_scoped3A : memref<!tpu.dma_semaphore, #tpu.memory_space<semaphore_mem>>) src(%dma_wait3A_669 : memref<1472xf32, #tpu.memory_space<vmem_shared>>) dst(%arg8 : memref<1472xf32, #tpu.memory_space<vmem>>)
        tpu.yield
      }) : () -> ()
      %scan3A_147 = arith.constant 0 : i32
      %scan3A_148 = arith.constant 0 : i32
      %scan3A_149 = arith.constant 23 : i32
      %scan3A_150 = arith.addi %scan3A_148, %scan3A_149 : i32
      %scan3A_151 = arith.constant 1 : i32
      scf.for %scan3A_666 = %scan3A_148 to %scan3A_150 step %scan3A_151  : i32 {
        %mul3A_667 = arith.constant 16 : i32
        %mul3A_668 = arith.muli %scan3A_666, %mul3A_667 : i32
        %get3A = arith.index_cast %mul3A_668 : i32 to index
        %get3A_669 = tpu.vector_load %arg8[%get3A] {strides = array<i32>} : memref<1472xf32, #tpu.memory_space<vmem>>, vector<16xf32>,
        %mul3A_670 = arith.constant 16 : i32
        %mul3A_671 = arith.muli %scan3A_666, %mul3A_670 : i32
        %add3A_672 = arith.constant 368 : i32
        %add3A_673 = arith.addi %add3A_672, %mul3A_671 : i32
        %get3A_674 = arith.index_cast %add3A_673 : i32 to index
        %get3A_675 = tpu.vector_load %arg8[%get3A_674] {strides = array<i32>} : memref<1472xf32, #tpu.memory_space<vmem>>, vector<16xf32>,
        %add3A_676 = arith.addf %get3A_669, %get3A_675 : vector<16xf32>
        %mul3A_677 = arith.constant 16 : i32
        %mul3A_678 = arith.muli %scan3A_666, %mul3A_677 : i32
        %add3A_679 = arith.constant 736 : i32
        %add3A_680 = arith.addi %add3A_679, %mul3A_678 : i32
        %get3A_681 = arith.index_cast %add3A_680 : i32 to index
        %get3A_682 = tpu.vector_load %arg8[%get3A_681] {strides = array<i32>} : memref<1472xf32, #tpu.memory_space<vmem>>, vector<16xf32>,
        %add3A_683 = arith.addf %add3A_676, %get3A_682 : vector<16xf32>
        %mul3A_684 = arith.constant 16 : i32
        %mul3A_685 = arith.muli %scan3A_666, %mul3A_684 : i32
        %add3A_686 = arith.constant 1104 : i32
        %add3A_687 = arith.addi %add3A_686, %mul3A_685 : i32
        %get3A_688 = arith.index_cast %add3A_687 : i32 to index
        %get3A_689 = tpu.vector_load %arg8[%get3A_688] {strides = array<i32>} : memref<1472xf32, #tpu.memory_space<vmem>>, vector<16xf32>,
        %add3A_690 = arith.addf %add3A_683, %get3A_689 : vector<16xf32>
        %mul3A_691 = arith.constant 16 : i32
        %mul3A_692 = arith.muli %scan3A_666, %mul3A_691 : i32
        %swap3A_693 = arith.index_cast %mul3A_692 : i32 to index
        %swap3A_694 = tpu.vector_load %arg7[%swap3A_693] {strides = array<i32>} : memref<368xf32, #tpu.memory_space<vmem>>, vector<16xf32>,
        tpu.vector_store %arg7[%swap3A_693], %add3A_690 {strides = array<i32>} : memref<368xf32, #tpu.memory_space<vmem>>, vector<16xf32>,
      }
      %scan3A_152 = arith.constant 23 : i32
      %iota3A_153 = tpu.iota {dimensions = array<i32: 0>} : vector<16xi32>
      %add3A_154 = arith.constant 0 : i32
      %add3A_155 = vector.broadcast %add3A_154 : i32 to vector<16xi32>
      %add3A_156 = arith.addi %iota3A_153, %add3A_155 : vector<16xi32>
      %min3A = arith.constant 18 : i32
      %min3A_157 = vector.broadcast %min3A : i32 to vector<16xi32>
      %min3A_158 = arith.minsi %add3A_156, %min3A_157 : vector<16xi32>
      %mul3A_159 = arith.constant 19 : i32
      %mul3A_160 = vector.broadcast %mul3A_159 : i32 to vector<16xi32>
      %mul3A_161 = arith.muli %min3A_158, %mul3A_160 : vector<16xi32>
      %gather3A = tpu.vector_load_idx %arg7[%mul3A_161] : memref<368xf32, #tpu.memory_space<vmem>>[vector<16xi32>], vector<16xf32>,
      %gather3A_162 = tpu.vector_load_idx %arg7[%min3A_158] : memref<368xf32, #tpu.memory_space<vmem>>[vector<16xi32>], vector<16xf32>,
      %mul3A_163 = arith.constant 19 : i32
      %mul3A_164 = vector.broadcast %mul3A_163 : i32 to vector<16xi32>
      %mul3A_165 = arith.muli %min3A_158, %mul3A_164 : vector<16xi32>
      %add3A_166 = arith.constant 1 : i32
      %add3A_167 = vector.broadcast %add3A_166 : i32 to vector<16xi32>
      %add3A_168 = arith.addi %mul3A_165, %add3A_167 : vector<16xi32>
      %gather3A_169 = tpu.vector_load_idx %arg7[%add3A_168] : memref<368xf32, #tpu.memory_space<vmem>>[vector<16xi32>], vector<16xf32>,
      %add3A_170 = arith.addf %gather3A, %gather3A_169 : vector<16xf32>
      %add3A_171 = arith.constant 19 : i32
      %add3A_172 = vector.broadcast %add3A_171 : i32 to vector<16xi32>
      %add3A_173 = arith.addi %add3A_172, %min3A_158 : vector<16xi32>
      %gather3A_174 = tpu.vector_load_idx %arg7[%add3A_173] : memref<368xf32, #tpu.memory_space<vmem>>[vector<16xi32>], vector<16xf32>,
      %add3A_175 = arith.addf %gather3A_162, %gather3A_174 : vector<16xf32>
      %mul3A_176 = arith.constant 19 : i32
      %mul3A_177 = vector.broadcast %mul3A_176 : i32 to vector<16xi32>
      %mul3A_178 = arith.muli %min3A_158, %mul3A_177 : vector<16xi32>
      %add3A_179 = arith.constant 2 : i32
      %add3A_180 = vector.broadcast %add3A_179 : i32 to vector<16xi32>
      %add3A_181 = arith.addi %mul3A_178, %add3A_180 : vector<16xi32>
      %gather3A_182 = tpu.vector_load_idx %arg7[%add3A_181] : memref<368xf32, #tpu.memory_space<vmem>>[vector<16xi32>], vector<16xf32>,
      %add3A_183 = arith.addf %add3A_170, %gather3A_182 : vector<16xf32>
      %add3A_184 = arith.constant 38 : i32
      %add3A_185 = vector.broadcast %add3A_184 : i32 to vector<16xi32>
      %add3A_186 = arith.addi %add3A_185, %min3A_158 : vector<16xi32>
      %gather3A_187 = tpu.vector_load_idx %arg7[%add3A_186] : memref<368xf32, #tpu.memory_space<vmem>>[vector<16xi32>], vector<16xf32>,
      %add3A_188 = arith.addf %add3A_175, %gather3A_187 : vector<16xf32>
      %mul3A_189 = arith.constant 19 : i32
      %mul3A_190 = vector.broadcast %mul3A_189 : i32 to vector<16xi32>
      %mul3A_191 = arith.muli %min3A_158, %mul3A_190 : vector<16xi32>
      %add3A_192 = arith.constant 3 : i32
      %add3A_193 = vector.broadcast %add3A_192 : i32 to vector<16xi32>
      %add3A_194 = arith.addi %mul3A_191, %add3A_193 : vector<16xi32>
      %gather3A_195 = tpu.vector_load_idx %arg7[%add3A_194] : memref<368xf32, #tpu.memory_space<vmem>>[vector<16xi32>], vector<16xf32>,
      %add3A_196 = arith.addf %add3A_183, %gather3A_195 : vector<16xf32>
      %add3A_197 = arith.constant 57 : i32
      %add3A_198 = vector.broadcast %add3A_197 : i32 to vector<16xi32>
      %add3A_199 = arith.addi %add3A_198, %min3A_158 : vector<16xi32>
      %gather3A_200 = tpu.vector_load_idx %arg7[%add3A_199] : memref<368xf32, #tpu.memory_space<vmem>>[vector<16xi32>], vector<16xf32>,
      %add3A_201 = arith.addf %add3A_188, %gather3A_200 : vector<16xf32>
      %mul3A_202 = arith.constant 19 : i32
      %mul3A_203 = vector.broadcast %mul3A_202 : i32 to vector<16xi32>
      %mul3A_204 = arith.muli %min3A_158, %mul3A_203 : vector<16xi32>
      %add3A_205 = arith.constant 4 : i32
      %add3A_206 = vector.broadcast %add3A_205 : i32 to vector<16xi32>
      %add3A_207 = arith.addi %mul3A_204, %add3A_206 : vector<16xi32>
      %gather3A_208 = tpu.vector_load_idx %arg7[%add3A_207] : memref<368xf32, #tpu.memory_space<vmem>>[vector<16xi32>], vector<16xf32>,
      %add3A_209 = arith.addf %add3A_196, %gather3A_208 : vector<16xf32>
      %add3A_210 = arith.constant 76 : i32
      %add3A_211 = vector.broadcast %add3A_210 : i32 to vector<16xi32>
      %add3A_212 = arith.addi %add3A_211, %min3A_158 : vector<16xi32>
      %gather3A_213 = tpu.vector_load_idx %arg7[%add3A_212] : memref<368xf32, #tpu.memory_space<vmem>>[vector<16xi32>], vector<16xf32>,
      %add3A_214 = arith.addf %add3A_201, %gather3A_213 : vector<16xf32>
      %mul3A_215 = arith.constant 19 : i32
      %mul3A_216 = vector.broadcast %mul3A_215 : i32 to vector<16xi32>
      %mul3A_217 = arith.muli %min3A_158, %mul3A_216 : vector<16xi32>
      %add3A_218 = arith.constant 5 : i32
      %add3A_219 = vector.broadcast %add3A_218 : i32 to vector<16xi32>
      %add3A_220 = arith.addi %mul3A_217, %add3A_219 : vector<16xi32>
      %gather3A_221 = tpu.vector_load_idx %arg7[%add3A_220] : memref<368xf32, #tpu.memory_space<vmem>>[vector<16xi32>], vector<16xf32>,
      %add3A_222 = arith.addf %add3A_209, %gather3A_221 : vector<16xf32>
      %add3A_223 = arith.constant 95 : i32
      %add3A_224 = vector.broadcast %add3A_223 : i32 to vector<16xi32>
      %add3A_225 = arith.addi %add3A_224, %min3A_158 : vector<16xi32>
      %gather3A_226 = tpu.vector_load_idx %arg7[%add3A_225] : memref<368xf32, #tpu.memory_space<vmem>>[vector<16xi32>], vector<16xf32>,
      %add3A_227 = arith.addf %add3A_214, %gather3A_226 : vector<16xf32>
      %mul3A_228 = arith.constant 19 : i32
      %mul3A_229 = vector.broadcast %mul3A_228 : i32 to vector<16xi32>
      %mul3A_230 = arith.muli %min3A_158, %mul3A_229 : vector<16xi32>
      %add3A_231 = arith.constant 6 : i32
      %add3A_232 = vector.broadcast %add3A_231 : i32 to vector<16xi32>
      %add3A_233 = arith.addi %mul3A_230, %add3A_232 : vector<16xi32>
      %gather3A_234 = tpu.vector_load_idx %arg7[%add3A_233] : memref<368xf32, #tpu.memory_space<vmem>>[vector<16xi32>], vector<16xf32>,
      %add3A_235 = arith.addf %add3A_222, %gather3A_234 : vector<16xf32>
      %add3A_236 = arith.constant 114 : i32
      %add3A_237 = vector.broadcast %add3A_236 : i32 to vector<16xi32>
      %add3A_238 = arith.addi %add3A_237, %min3A_158 : vector<16xi32>
      %gather3A_239 = tpu.vector_load_idx %arg7[%add3A_238] : memref<368xf32, #tpu.memory_space<vmem>>[vector<16xi32>], vector<16xf32>,
      %add3A_240 = arith.addf %add3A_227, %gather3A_239 : vector<16xf32>
      %mul3A_241 = arith.constant 19 : i32
      %mul3A_242 = vector.broadcast %mul3A_241 : i32 to vector<16xi32>
      %mul3A_243 = arith.muli %min3A_158, %mul3A_242 : vector<16xi32>
      %add3A_244 = arith.constant 7 : i32
      %add3A_245 = vector.broadcast %add3A_244 : i32 to vector<16xi32>
      %add3A_246 = arith.addi %mul3A_243, %add3A_245 : vector<16xi32>
      %gather3A_247 = tpu.vector_load_idx %arg7[%add3A_246] : memref<368xf32, #tpu.memory_space<vmem>>[vector<16xi32>], vector<16xf32>,
      %add3A_248 = arith.addf %add3A_235, %gather3A_247 : vector<16xf32>
      %add3A_249 = arith.constant 133 : i32
      %add3A_250 = vector.broadcast %add3A_249 : i32 to vector<16xi32>
      %add3A_251 = arith.addi %add3A_250, %min3A_158 : vector<16xi32>
      %gather3A_252 = tpu.vector_load_idx %arg7[%add3A_251] : memref<368xf32, #tpu.memory_space<vmem>>[vector<16xi32>], vector<16xf32>,
      %add3A_253 = arith.addf %add3A_240, %gather3A_252 : vector<16xf32>
      %mul3A_254 = arith.constant 19 : i32
      %mul3A_255 = vector.broadcast %mul3A_254 : i32 to vector<16xi32>
      %mul3A_256 = arith.muli %min3A_158, %mul3A_255 : vector<16xi32>
      %add3A_257 = arith.constant 8 : i32
      %add3A_258 = vector.broadcast %add3A_257 : i32 to vector<16xi32>
      %add3A_259 = arith.addi %mul3A_256, %add3A_258 : vector<16xi32>
      %gather3A_260 = tpu.vector_load_idx %arg7[%add3A_259] : memref<368xf32, #tpu.memory_space<vmem>>[vector<16xi32>], vector<16xf32>,
      %add3A_261 = arith.addf %add3A_248, %gather3A_260 : vector<16xf32>
      %add3A_262 = arith.constant 152 : i32
      %add3A_263 = vector.broadcast %add3A_262 : i32 to vector<16xi32>
      %add3A_264 = arith.addi %add3A_263, %min3A_158 : vector<16xi32>
      %gather3A_265 = tpu.vector_load_idx %arg7[%add3A_264] : memref<368xf32, #tpu.memory_space<vmem>>[vector<16xi32>], vector<16xf32>,
      %add3A_266 = arith.addf %add3A_253, %gather3A_265 : vector<16xf32>
      %mul3A_267 = arith.constant 19 : i32
      %mul3A_268 = vector.broadcast %mul3A_267 : i32 to vector<16xi32>
      %mul3A_269 = arith.muli %min3A_158, %mul3A_268 : vector<16xi32>
      %add3A_270 = arith.constant 9 : i32
      %add3A_271 = vector.broadcast %add3A_270 : i32 to vector<16xi32>
      %add3A_272 = arith.addi %mul3A_269, %add3A_271 : vector<16xi32>
      %gather3A_273 = tpu.vector_load_idx %arg7[%add3A_272] : memref<368xf32, #tpu.memory_space<vmem>>[vector<16xi32>], vector<16xf32>,
      %add3A_274 = arith.addf %add3A_261, %gather3A_273 : vector<16xf32>
      %add3A_275 = arith.constant 171 : i32
      %add3A_276 = vector.broadcast %add3A_275 : i32 to vector<16xi32>
      %add3A_277 = arith.addi %add3A_276, %min3A_158 : vector<16xi32>
      %gather3A_278 = tpu.vector_load_idx %arg7[%add3A_277] : memref<368xf32, #tpu.memory_space<vmem>>[vector<16xi32>], vector<16xf32>,
      %add3A_279 = arith.addf %add3A_266, %gather3A_278 : vector<16xf32>
      %mul3A_280 = arith.constant 19 : i32
      %mul3A_281 = vector.broadcast %mul3A_280 : i32 to vector<16xi32>
      %mul3A_282 = arith.muli %min3A_158, %mul3A_281 : vector<16xi32>
      %add3A_283 = arith.constant 10 : i32
      %add3A_284 = vector.broadcast %add3A_283 : i32 to vector<16xi32>
      %add3A_285 = arith.addi %mul3A_282, %add3A_284 : vector<16xi32>
      %gather3A_286 = tpu.vector_load_idx %arg7[%add3A_285] : memref<368xf32, #tpu.memory_space<vmem>>[vector<16xi32>], vector<16xf32>,
      %add3A_287 = arith.addf %add3A_274, %gather3A_286 : vector<16xf32>
      %add3A_288 = arith.constant 190 : i32
      %add3A_289 = vector.broadcast %add3A_288 : i32 to vector<16xi32>
      %add3A_290 = arith.addi %add3A_289, %min3A_158 : vector<16xi32>
      %gather3A_291 = tpu.vector_load_idx %arg7[%add3A_290] : memref<368xf32, #tpu.memory_space<vmem>>[vector<16xi32>], vector<16xf32>,
      %add3A_292 = arith.addf %add3A_279, %gather3A_291 : vector<16xf32>
      %mul3A_293 = arith.constant 19 : i32
      %mul3A_294 = vector.broadcast %mul3A_293 : i32 to vector<16xi32>
      %mul3A_295 = arith.muli %min3A_158, %mul3A_294 : vector<16xi32>
      %add3A_296 = arith.constant 11 : i32
      %add3A_297 = vector.broadcast %add3A_296 : i32 to vector<16xi32>
      %add3A_298 = arith.addi %mul3A_295, %add3A_297 : vector<16xi32>
      %gather3A_299 = tpu.vector_load_idx %arg7[%add3A_298] : memref<368xf32, #tpu.memory_space<vmem>>[vector<16xi32>], vector<16xf32>,
      %add3A_300 = arith.addf %add3A_287, %gather3A_299 : vector<16xf32>
      %add3A_301 = arith.constant 209 : i32
      %add3A_302 = vector.broadcast %add3A_301 : i32 to vector<16xi32>
      %add3A_303 = arith.addi %add3A_302, %min3A_158 : vector<16xi32>
      %gather3A_304 = tpu.vector_load_idx %arg7[%add3A_303] : memref<368xf32, #tpu.memory_space<vmem>>[vector<16xi32>], vector<16xf32>,
      %add3A_305 = arith.addf %add3A_292, %gather3A_304 : vector<16xf32>
      %mul3A_306 = arith.constant 19 : i32
      %mul3A_307 = vector.broadcast %mul3A_306 : i32 to vector<16xi32>
      %mul3A_308 = arith.muli %min3A_158, %mul3A_307 : vector<16xi32>
      %add3A_309 = arith.constant 12 : i32
      %add3A_310 = vector.broadcast %add3A_309 : i32 to vector<16xi32>
      %add3A_311 = arith.addi %mul3A_308, %add3A_310 : vector<16xi32>
      %gather3A_312 = tpu.vector_load_idx %arg7[%add3A_311] : memref<368xf32, #tpu.memory_space<vmem>>[vector<16xi32>], vector<16xf32>,
      %add3A_313 = arith.addf %add3A_300, %gather3A_312 : vector<16xf32>
      %add3A_314 = arith.constant 228 : i32
      %add3A_315 = vector.broadcast %add3A_314 : i32 to vector<16xi32>
      %add3A_316 = arith.addi %add3A_315, %min3A_158 : vector<16xi32>
      %gather3A_317 = tpu.vector_load_idx %arg7[%add3A_316] : memref<368xf32, #tpu.memory_space<vmem>>[vector<16xi32>], vector<16xf32>,
      %add3A_318 = arith.addf %add3A_305, %gather3A_317 : vector<16xf32>
      %mul3A_319 = arith.constant 19 : i32
      %mul3A_320 = vector.broadcast %mul3A_319 : i32 to vector<16xi32>
      %mul3A_321 = arith.muli %min3A_158, %mul3A_320 : vector<16xi32>
      %add3A_322 = arith.constant 13 : i32
      %add3A_323 = vector.broadcast %add3A_322 : i32 to vector<16xi32>
      %add3A_324 = arith.addi %mul3A_321, %add3A_323 : vector<16xi32>
      %gather3A_325 = tpu.vector_load_idx %arg7[%add3A_324] : memref<368xf32, #tpu.memory_space<vmem>>[vector<16xi32>], vector<16xf32>,
      %add3A_326 = arith.addf %add3A_313, %gather3A_325 : vector<16xf32>
      %add3A_327 = arith.constant 247 : i32
      %add3A_328 = vector.broadcast %add3A_327 : i32 to vector<16xi32>
      %add3A_329 = arith.addi %add3A_328, %min3A_158 : vector<16xi32>
      %gather3A_330 = tpu.vector_load_idx %arg7[%add3A_329] : memref<368xf32, #tpu.memory_space<vmem>>[vector<16xi32>], vector<16xf32>,
      %add3A_331 = arith.addf %add3A_318, %gather3A_330 : vector<16xf32>
      %mul3A_332 = arith.constant 19 : i32
      %mul3A_333 = vector.broadcast %mul3A_332 : i32 to vector<16xi32>
      %mul3A_334 = arith.muli %min3A_158, %mul3A_333 : vector<16xi32>
      %add3A_335 = arith.constant 14 : i32
      %add3A_336 = vector.broadcast %add3A_335 : i32 to vector<16xi32>
      %add3A_337 = arith.addi %mul3A_334, %add3A_336 : vector<16xi32>
      %gather3A_338 = tpu.vector_load_idx %arg7[%add3A_337] : memref<368xf32, #tpu.memory_space<vmem>>[vector<16xi32>], vector<16xf32>,
      %add3A_339 = arith.addf %add3A_326, %gather3A_338 : vector<16xf32>
      %add3A_340 = arith.constant 266 : i32
      %add3A_341 = vector.broadcast %add3A_340 : i32 to vector<16xi32>
      %add3A_342 = arith.addi %add3A_341, %min3A_158 : vector<16xi32>
      %gather3A_343 = tpu.vector_load_idx %arg7[%add3A_342] : memref<368xf32, #tpu.memory_space<vmem>>[vector<16xi32>], vector<16xf32>,
      %add3A_344 = arith.addf %add3A_331, %gather3A_343 : vector<16xf32>
      %mul3A_345 = arith.constant 19 : i32
      %mul3A_346 = vector.broadcast %mul3A_345 : i32 to vector<16xi32>
      %mul3A_347 = arith.muli %min3A_158, %mul3A_346 : vector<16xi32>
      %add3A_348 = arith.constant 15 : i32
      %add3A_349 = vector.broadcast %add3A_348 : i32 to vector<16xi32>
      %add3A_350 = arith.addi %mul3A_347, %add3A_349 : vector<16xi32>
      %gather3A_351 = tpu.vector_load_idx %arg7[%add3A_350] : memref<368xf32, #tpu.memory_space<vmem>>[vector<16xi32>], vector<16xf32>,
      %add3A_352 = arith.addf %add3A_339, %gather3A_351 : vector<16xf32>
      %add3A_353 = arith.constant 285 : i32
      %add3A_354 = vector.broadcast %add3A_353 : i32 to vector<16xi32>
      %add3A_355 = arith.addi %add3A_354, %min3A_158 : vector<16xi32>
      %gather3A_356 = tpu.vector_load_idx %arg7[%add3A_355] : memref<368xf32, #tpu.memory_space<vmem>>[vector<16xi32>], vector<16xf32>,
      %add3A_357 = arith.addf %add3A_344, %gather3A_356 : vector<16xf32>
      %mul3A_358 = arith.constant 19 : i32
      %mul3A_359 = vector.broadcast %mul3A_358 : i32 to vector<16xi32>
      %mul3A_360 = arith.muli %min3A_158, %mul3A_359 : vector<16xi32>
      %add3A_361 = arith.constant 16 : i32
      %add3A_362 = vector.broadcast %add3A_361 : i32 to vector<16xi32>
      %add3A_363 = arith.addi %mul3A_360, %add3A_362 : vector<16xi32>
      %gather3A_364 = tpu.vector_load_idx %arg7[%add3A_363] : memref<368xf32, #tpu.memory_space<vmem>>[vector<16xi32>], vector<16xf32>,
      %add3A_365 = arith.addf %add3A_352, %gather3A_364 : vector<16xf32>
      %add3A_366 = arith.constant 304 : i32
      %add3A_367 = vector.broadcast %add3A_366 : i32 to vector<16xi32>
      %add3A_368 = arith.addi %add3A_367, %min3A_158 : vector<16xi32>
      %gather3A_369 = tpu.vector_load_idx %arg7[%add3A_368] : memref<368xf32, #tpu.memory_space<vmem>>[vector<16xi32>], vector<16xf32>,
      %add3A_370 = arith.addf %add3A_357, %gather3A_369 : vector<16xf32>
      %mul3A_371 = arith.constant 19 : i32
      %mul3A_372 = vector.broadcast %mul3A_371 : i32 to vector<16xi32>
      %mul3A_373 = arith.muli %min3A_158, %mul3A_372 : vector<16xi32>
      %add3A_374 = arith.constant 17 : i32
      %add3A_375 = vector.broadcast %add3A_374 : i32 to vector<16xi32>
      %add3A_376 = arith.addi %mul3A_373, %add3A_375 : vector<16xi32>
      %gather3A_377 = tpu.vector_load_idx %arg7[%add3A_376] : memref<368xf32, #tpu.memory_space<vmem>>[vector<16xi32>], vector<16xf32>,
      %add3A_378 = arith.addf %add3A_365, %gather3A_377 : vector<16xf32>
      %add3A_379 = arith.constant 323 : i32
      %add3A_380 = vector.broadcast %add3A_379 : i32 to vector<16xi32>
      %add3A_381 = arith.addi %add3A_380, %min3A_158 : vector<16xi32>
      %gather3A_382 = tpu.vector_load_idx %arg7[%add3A_381] : memref<368xf32, #tpu.memory_space<vmem>>[vector<16xi32>], vector<16xf32>,
      %add3A_383 = arith.addf %add3A_370, %gather3A_382 : vector<16xf32>
      %mul3A_384 = arith.constant 19 : i32
      %mul3A_385 = vector.broadcast %mul3A_384 : i32 to vector<16xi32>
      %mul3A_386 = arith.muli %min3A_158, %mul3A_385 : vector<16xi32>
      %add3A_387 = arith.constant 18 : i32
      %add3A_388 = vector.broadcast %add3A_387 : i32 to vector<16xi32>
      %add3A_389 = arith.addi %mul3A_386, %add3A_388 : vector<16xi32>
      %gather3A_390 = tpu.vector_load_idx %arg7[%add3A_389] : memref<368xf32, #tpu.memory_space<vmem>>[vector<16xi32>], vector<16xf32>,
      %add3A_391 = arith.addf %add3A_378, %gather3A_390 : vector<16xf32>
      %add3A_392 = arith.constant 342 : i32
      %add3A_393 = vector.broadcast %add3A_392 : i32 to vector<16xi32>
      %add3A_394 = arith.addi %add3A_393, %min3A_158 : vector<16xi32>
      %gather3A_395 = tpu.vector_load_idx %arg7[%add3A_394] : memref<368xf32, #tpu.memory_space<vmem>>[vector<16xi32>], vector<16xf32>,
      %add3A_396 = arith.addf %add3A_383, %gather3A_395 : vector<16xf32>
      %mul3A_397 = arith.constant 20 : i32
      %mul3A_398 = vector.broadcast %mul3A_397 : i32 to vector<16xi32>
      %mul3A_399 = arith.muli %min3A_158, %mul3A_398 : vector<16xi32>
      %gather3A_400 = tpu.vector_load_idx %arg7[%mul3A_399] : memref<368xf32, #tpu.memory_space<vmem>>[vector<16xi32>], vector<16xf32>,
      %add3A_401 = arith.addf %add3A_391, %add3A_396 : vector<16xf32>
      %sub3A_402 = arith.subf %add3A_401, %gather3A_400 : vector<16xf32>
      %max3A = arith.constant 1.000000e+00 : f32
      %max3A_403 = vector.broadcast %max3A : f32 to vector<16xf32>
      %max3A_404 = arith.maximumf %sub3A_402, %max3A_403 : vector<16xf32>
      %div3A_405 = arith.divf %gather3A_400, %max3A_404 : vector<16xf32>
      %swap3A = arith.constant 0 : index
      %swap3A_406 = tpu.vector_load %arg9[%swap3A] {strides = array<i32>} : memref<32xf32, #tpu.memory_space<vmem>>, vector<16xf32>,
      tpu.vector_store %arg9[%swap3A], %div3A_405 {strides = array<i32>} : memref<32xf32, #tpu.memory_space<vmem>>, vector<16xf32>,
      %add3A_407 = arith.constant 16 : i32
      %add3A_408 = vector.broadcast %add3A_407 : i32 to vector<16xi32>
      %add3A_409 = arith.addi %iota3A_153, %add3A_408 : vector<16xi32>
      %min3A_410 = arith.constant 18 : i32
      %min3A_411 = vector.broadcast %min3A_410 : i32 to vector<16xi32>
      %min3A_412 = arith.minsi %add3A_409, %min3A_411 : vector<16xi32>
      %mul3A_413 = arith.constant 19 : i32
      %mul3A_414 = vector.broadcast %mul3A_413 : i32 to vector<16xi32>
      %mul3A_415 = arith.muli %min3A_412, %mul3A_414 : vector<16xi32>
      %gather3A_416 = tpu.vector_load_idx %arg7[%mul3A_415] : memref<368xf32, #tpu.memory_space<vmem>>[vector<16xi32>], vector<16xf32>,
      %gather3A_417 = tpu.vector_load_idx %arg7[%min3A_412] : memref<368xf32, #tpu.memory_space<vmem>>[vector<16xi32>], vector<16xf32>,
      %mul3A_418 = arith.constant 19 : i32
      %mul3A_419 = vector.broadcast %mul3A_418 : i32 to vector<16xi32>
      %mul3A_420 = arith.muli %min3A_412, %mul3A_419 : vector<16xi32>
      %add3A_421 = arith.constant 1 : i32
      %add3A_422 = vector.broadcast %add3A_421 : i32 to vector<16xi32>
      %add3A_423 = arith.addi %mul3A_420, %add3A_422 : vector<16xi32>
      %gather3A_424 = tpu.vector_load_idx %arg7[%add3A_423] : memref<368xf32, #tpu.memory_space<vmem>>[vector<16xi32>], vector<16xf32>,
      %add3A_425 = arith.addf %gather3A_416, %gather3A_424 : vector<16xf32>
      %add3A_426 = arith.constant 19 : i32
      %add3A_427 = vector.broadcast %add3A_426 : i32 to vector<16xi32>
      %add3A_428 = arith.addi %add3A_427, %min3A_412 : vector<16xi32>
      %gather3A_429 = tpu.vector_load_idx %arg7[%add3A_428] : memref<368xf32, #tpu.memory_space<vmem>>[vector<16xi32>], vector<16xf32>,
      %add3A_430 = arith.addf %gather3A_417, %gather3A_429 : vector<16xf32>
      %mul3A_431 = arith.constant 19 : i32
      %mul3A_432 = vector.broadcast %mul3A_431 : i32 to vector<16xi32>
      %mul3A_433 = arith.muli %min3A_412, %mul3A_432 : vector<16xi32>
      %add3A_434 = arith.constant 2 : i32
      %add3A_435 = vector.broadcast %add3A_434 : i32 to vector<16xi32>
      %add3A_436 = arith.addi %mul3A_433, %add3A_435 : vector<16xi32>
      %gather3A_437 = tpu.vector_load_idx %arg7[%add3A_436] : memref<368xf32, #tpu.memory_space<vmem>>[vector<16xi32>], vector<16xf32>,
      %add3A_438 = arith.addf %add3A_425, %gather3A_437 : vector<16xf32>
      %add3A_439 = arith.constant 38 : i32
      %add3A_440 = vector.broadcast %add3A_439 : i32 to vector<16xi32>
      %add3A_441 = arith.addi %add3A_440, %min3A_412 : vector<16xi32>
      %gather3A_442 = tpu.vector_load_idx %arg7[%add3A_441] : memref<368xf32, #tpu.memory_space<vmem>>[vector<16xi32>], vector<16xf32>,
      %add3A_443 = arith.addf %add3A_430, %gather3A_442 : vector<16xf32>
      %mul3A_444 = arith.constant 19 : i32
      %mul3A_445 = vector.broadcast %mul3A_444 : i32 to vector<16xi32>
      %mul3A_446 = arith.muli %min3A_412, %mul3A_445 : vector<16xi32>
      %add3A_447 = arith.constant 3 : i32
      %add3A_448 = vector.broadcast %add3A_447 : i32 to vector<16xi32>
      %add3A_449 = arith.addi %mul3A_446, %add3A_448 : vector<16xi32>
      %gather3A_450 = tpu.vector_load_idx %arg7[%add3A_449] : memref<368xf32, #tpu.memory_space<vmem>>[vector<16xi32>], vector<16xf32>,
      %add3A_451 = arith.addf %add3A_438, %gather3A_450 : vector<16xf32>
      %add3A_452 = arith.constant 57 : i32
      %add3A_453 = vector.broadcast %add3A_452 : i32 to vector<16xi32>
      %add3A_454 = arith.addi %add3A_453, %min3A_412 : vector<16xi32>
      %gather3A_455 = tpu.vector_load_idx %arg7[%add3A_454] : memref<368xf32, #tpu.memory_space<vmem>>[vector<16xi32>], vector<16xf32>,
      %add3A_456 = arith.addf %add3A_443, %gather3A_455 : vector<16xf32>
      %mul3A_457 = arith.constant 19 : i32
      %mul3A_458 = vector.broadcast %mul3A_457 : i32 to vector<16xi32>
      %mul3A_459 = arith.muli %min3A_412, %mul3A_458 : vector<16xi32>
      %add3A_460 = arith.constant 4 : i32
      %add3A_461 = vector.broadcast %add3A_460 : i32 to vector<16xi32>
      %add3A_462 = arith.addi %mul3A_459, %add3A_461 : vector<16xi32>
      %gather3A_463 = tpu.vector_load_idx %arg7[%add3A_462] : memref<368xf32, #tpu.memory_space<vmem>>[vector<16xi32>], vector<16xf32>,
      %add3A_464 = arith.addf %add3A_451, %gather3A_463 : vector<16xf32>
      %add3A_465 = arith.constant 76 : i32
      %add3A_466 = vector.broadcast %add3A_465 : i32 to vector<16xi32>
      %add3A_467 = arith.addi %add3A_466, %min3A_412 : vector<16xi32>
      %gather3A_468 = tpu.vector_load_idx %arg7[%add3A_467] : memref<368xf32, #tpu.memory_space<vmem>>[vector<16xi32>], vector<16xf32>,
      %add3A_469 = arith.addf %add3A_456, %gather3A_468 : vector<16xf32>
      %mul3A_470 = arith.constant 19 : i32
      %mul3A_471 = vector.broadcast %mul3A_470 : i32 to vector<16xi32>
      %mul3A_472 = arith.muli %min3A_412, %mul3A_471 : vector<16xi32>
      %add3A_473 = arith.constant 5 : i32
      %add3A_474 = vector.broadcast %add3A_473 : i32 to vector<16xi32>
      %add3A_475 = arith.addi %mul3A_472, %add3A_474 : vector<16xi32>
      %gather3A_476 = tpu.vector_load_idx %arg7[%add3A_475] : memref<368xf32, #tpu.memory_space<vmem>>[vector<16xi32>], vector<16xf32>,
      %add3A_477 = arith.addf %add3A_464, %gather3A_476 : vector<16xf32>
      %add3A_478 = arith.constant 95 : i32
      %add3A_479 = vector.broadcast %add3A_478 : i32 to vector<16xi32>
      %add3A_480 = arith.addi %add3A_479, %min3A_412 : vector<16xi32>
      %gather3A_481 = tpu.vector_load_idx %arg7[%add3A_480] : memref<368xf32, #tpu.memory_space<vmem>>[vector<16xi32>], vector<16xf32>,
      %add3A_482 = arith.addf %add3A_469, %gather3A_481 : vector<16xf32>
      %mul3A_483 = arith.constant 19 : i32
      %mul3A_484 = vector.broadcast %mul3A_483 : i32 to vector<16xi32>
      %mul3A_485 = arith.muli %min3A_412, %mul3A_484 : vector<16xi32>
      %add3A_486 = arith.constant 6 : i32
      %add3A_487 = vector.broadcast %add3A_486 : i32 to vector<16xi32>
      %add3A_488 = arith.addi %mul3A_485, %add3A_487 : vector<16xi32>
      %gather3A_489 = tpu.vector_load_idx %arg7[%add3A_488] : memref<368xf32, #tpu.memory_space<vmem>>[vector<16xi32>], vector<16xf32>,
      %add3A_490 = arith.addf %add3A_477, %gather3A_489 : vector<16xf32>
      %add3A_491 = arith.constant 114 : i32
      %add3A_492 = vector.broadcast %add3A_491 : i32 to vector<16xi32>
      %add3A_493 = arith.addi %add3A_492, %min3A_412 : vector<16xi32>
      %gather3A_494 = tpu.vector_load_idx %arg7[%add3A_493] : memref<368xf32, #tpu.memory_space<vmem>>[vector<16xi32>], vector<16xf32>,
      %add3A_495 = arith.addf %add3A_482, %gather3A_494 : vector<16xf32>
      %mul3A_496 = arith.constant 19 : i32
      %mul3A_497 = vector.broadcast %mul3A_496 : i32 to vector<16xi32>
      %mul3A_498 = arith.muli %min3A_412, %mul3A_497 : vector<16xi32>
      %add3A_499 = arith.constant 7 : i32
      %add3A_500 = vector.broadcast %add3A_499 : i32 to vector<16xi32>
      %add3A_501 = arith.addi %mul3A_498, %add3A_500 : vector<16xi32>
      %gather3A_502 = tpu.vector_load_idx %arg7[%add3A_501] : memref<368xf32, #tpu.memory_space<vmem>>[vector<16xi32>], vector<16xf32>,
      %add3A_503 = arith.addf %add3A_490, %gather3A_502 : vector<16xf32>
      %add3A_504 = arith.constant 133 : i32
      %add3A_505 = vector.broadcast %add3A_504 : i32 to vector<16xi32>
      %add3A_506 = arith.addi %add3A_505, %min3A_412 : vector<16xi32>
      %gather3A_507 = tpu.vector_load_idx %arg7[%add3A_506] : memref<368xf32, #tpu.memory_space<vmem>>[vector<16xi32>], vector<16xf32>,
      %add3A_508 = arith.addf %add3A_495, %gather3A_507 : vector<16xf32>
      %mul3A_509 = arith.constant 19 : i32
      %mul3A_510 = vector.broadcast %mul3A_509 : i32 to vector<16xi32>
      %mul3A_511 = arith.muli %min3A_412, %mul3A_510 : vector<16xi32>
      %add3A_512 = arith.constant 8 : i32
      %add3A_513 = vector.broadcast %add3A_512 : i32 to vector<16xi32>
      %add3A_514 = arith.addi %mul3A_511, %add3A_513 : vector<16xi32>
      %gather3A_515 = tpu.vector_load_idx %arg7[%add3A_514] : memref<368xf32, #tpu.memory_space<vmem>>[vector<16xi32>], vector<16xf32>,
      %add3A_516 = arith.addf %add3A_503, %gather3A_515 : vector<16xf32>
      %add3A_517 = arith.constant 152 : i32
      %add3A_518 = vector.broadcast %add3A_517 : i32 to vector<16xi32>
      %add3A_519 = arith.addi %add3A_518, %min3A_412 : vector<16xi32>
      %gather3A_520 = tpu.vector_load_idx %arg7[%add3A_519] : memref<368xf32, #tpu.memory_space<vmem>>[vector<16xi32>], vector<16xf32>,
      %add3A_521 = arith.addf %add3A_508, %gather3A_520 : vector<16xf32>
      %mul3A_522 = arith.constant 19 : i32
      %mul3A_523 = vector.broadcast %mul3A_522 : i32 to vector<16xi32>
      %mul3A_524 = arith.muli %min3A_412, %mul3A_523 : vector<16xi32>
      %add3A_525 = arith.constant 9 : i32
      %add3A_526 = vector.broadcast %add3A_525 : i32 to vector<16xi32>
      %add3A_527 = arith.addi %mul3A_524, %add3A_526 : vector<16xi32>
      %gather3A_528 = tpu.vector_load_idx %arg7[%add3A_527] : memref<368xf32, #tpu.memory_space<vmem>>[vector<16xi32>], vector<16xf32>,
      %add3A_529 = arith.addf %add3A_516, %gather3A_528 : vector<16xf32>
      %add3A_530 = arith.constant 171 : i32
      %add3A_531 = vector.broadcast %add3A_530 : i32 to vector<16xi32>
      %add3A_532 = arith.addi %add3A_531, %min3A_412 : vector<16xi32>
      %gather3A_533 = tpu.vector_load_idx %arg7[%add3A_532] : memref<368xf32, #tpu.memory_space<vmem>>[vector<16xi32>], vector<16xf32>,
      %add3A_534 = arith.addf %add3A_521, %gather3A_533 : vector<16xf32>
      %mul3A_535 = arith.constant 19 : i32
      %mul3A_536 = vector.broadcast %mul3A_535 : i32 to vector<16xi32>
      %mul3A_537 = arith.muli %min3A_412, %mul3A_536 : vector<16xi32>
      %add3A_538 = arith.constant 10 : i32
      %add3A_539 = vector.broadcast %add3A_538 : i32 to vector<16xi32>
      %add3A_540 = arith.addi %mul3A_537, %add3A_539 : vector<16xi32>
      %gather3A_541 = tpu.vector_load_idx %arg7[%add3A_540] : memref<368xf32, #tpu.memory_space<vmem>>[vector<16xi32>], vector<16xf32>,
      %add3A_542 = arith.addf %add3A_529, %gather3A_541 : vector<16xf32>
      %add3A_543 = arith.constant 190 : i32
      %add3A_544 = vector.broadcast %add3A_543 : i32 to vector<16xi32>
      %add3A_545 = arith.addi %add3A_544, %min3A_412 : vector<16xi32>
      %gather3A_546 = tpu.vector_load_idx %arg7[%add3A_545] : memref<368xf32, #tpu.memory_space<vmem>>[vector<16xi32>], vector<16xf32>,
      %add3A_547 = arith.addf %add3A_534, %gather3A_546 : vector<16xf32>
      %mul3A_548 = arith.constant 19 : i32
      %mul3A_549 = vector.broadcast %mul3A_548 : i32 to vector<16xi32>
      %mul3A_550 = arith.muli %min3A_412, %mul3A_549 : vector<16xi32>
      %add3A_551 = arith.constant 11 : i32
      %add3A_552 = vector.broadcast %add3A_551 : i32 to vector<16xi32>
      %add3A_553 = arith.addi %mul3A_550, %add3A_552 : vector<16xi32>
      %gather3A_554 = tpu.vector_load_idx %arg7[%add3A_553] : memref<368xf32, #tpu.memory_space<vmem>>[vector<16xi32>], vector<16xf32>,
      %add3A_555 = arith.addf %add3A_542, %gather3A_554 : vector<16xf32>
      %add3A_556 = arith.constant 209 : i32
      %add3A_557 = vector.broadcast %add3A_556 : i32 to vector<16xi32>
      %add3A_558 = arith.addi %add3A_557, %min3A_412 : vector<16xi32>
      %gather3A_559 = tpu.vector_load_idx %arg7[%add3A_558] : memref<368xf32, #tpu.memory_space<vmem>>[vector<16xi32>], vector<16xf32>,
      %add3A_560 = arith.addf %add3A_547, %gather3A_559 : vector<16xf32>
      %mul3A_561 = arith.constant 19 : i32
      %mul3A_562 = vector.broadcast %mul3A_561 : i32 to vector<16xi32>
      %mul3A_563 = arith.muli %min3A_412, %mul3A_562 : vector<16xi32>
      %add3A_564 = arith.constant 12 : i32
      %add3A_565 = vector.broadcast %add3A_564 : i32 to vector<16xi32>
      %add3A_566 = arith.addi %mul3A_563, %add3A_565 : vector<16xi32>
      %gather3A_567 = tpu.vector_load_idx %arg7[%add3A_566] : memref<368xf32, #tpu.memory_space<vmem>>[vector<16xi32>], vector<16xf32>,
      %add3A_568 = arith.addf %add3A_555, %gather3A_567 : vector<16xf32>
      %add3A_569 = arith.constant 228 : i32
      %add3A_570 = vector.broadcast %add3A_569 : i32 to vector<16xi32>
      %add3A_571 = arith.addi %add3A_570, %min3A_412 : vector<16xi32>
      %gather3A_572 = tpu.vector_load_idx %arg7[%add3A_571] : memref<368xf32, #tpu.memory_space<vmem>>[vector<16xi32>], vector<16xf32>,
      %add3A_573 = arith.addf %add3A_560, %gather3A_572 : vector<16xf32>
      %mul3A_574 = arith.constant 19 : i32
      %mul3A_575 = vector.broadcast %mul3A_574 : i32 to vector<16xi32>
      %mul3A_576 = arith.muli %min3A_412, %mul3A_575 : vector<16xi32>
      %add3A_577 = arith.constant 13 : i32
      %add3A_578 = vector.broadcast %add3A_577 : i32 to vector<16xi32>
      %add3A_579 = arith.addi %mul3A_576, %add3A_578 : vector<16xi32>
      %gather3A_580 = tpu.vector_load_idx %arg7[%add3A_579] : memref<368xf32, #tpu.memory_space<vmem>>[vector<16xi32>], vector<16xf32>,
      %add3A_581 = arith.addf %add3A_568, %gather3A_580 : vector<16xf32>
      %add3A_582 = arith.constant 247 : i32
      %add3A_583 = vector.broadcast %add3A_582 : i32 to vector<16xi32>
      %add3A_584 = arith.addi %add3A_583, %min3A_412 : vector<16xi32>
      %gather3A_585 = tpu.vector_load_idx %arg7[%add3A_584] : memref<368xf32, #tpu.memory_space<vmem>>[vector<16xi32>], vector<16xf32>,
      %add3A_586 = arith.addf %add3A_573, %gather3A_585 : vector<16xf32>
      %mul3A_587 = arith.constant 19 : i32
      %mul3A_588 = vector.broadcast %mul3A_587 : i32 to vector<16xi32>
      %mul3A_589 = arith.muli %min3A_412, %mul3A_588 : vector<16xi32>
      %add3A_590 = arith.constant 14 : i32
      %add3A_591 = vector.broadcast %add3A_590 : i32 to vector<16xi32>
      %add3A_592 = arith.addi %mul3A_589, %add3A_591 : vector<16xi32>
      %gather3A_593 = tpu.vector_load_idx %arg7[%add3A_592] : memref<368xf32, #tpu.memory_space<vmem>>[vector<16xi32>], vector<16xf32>,
      %add3A_594 = arith.addf %add3A_581, %gather3A_593 : vector<16xf32>
      %add3A_595 = arith.constant 266 : i32
      %add3A_596 = vector.broadcast %add3A_595 : i32 to vector<16xi32>
      %add3A_597 = arith.addi %add3A_596, %min3A_412 : vector<16xi32>
      %gather3A_598 = tpu.vector_load_idx %arg7[%add3A_597] : memref<368xf32, #tpu.memory_space<vmem>>[vector<16xi32>], vector<16xf32>,
      %add3A_599 = arith.addf %add3A_586, %gather3A_598 : vector<16xf32>
      %mul3A_600 = arith.constant 19 : i32
      %mul3A_601 = vector.broadcast %mul3A_600 : i32 to vector<16xi32>
      %mul3A_602 = arith.muli %min3A_412, %mul3A_601 : vector<16xi32>
      %add3A_603 = arith.constant 15 : i32
      %add3A_604 = vector.broadcast %add3A_603 : i32 to vector<16xi32>
      %add3A_605 = arith.addi %mul3A_602, %add3A_604 : vector<16xi32>
      %gather3A_606 = tpu.vector_load_idx %arg7[%add3A_605] : memref<368xf32, #tpu.memory_space<vmem>>[vector<16xi32>], vector<16xf32>,
      %add3A_607 = arith.addf %add3A_594, %gather3A_606 : vector<16xf32>
      %add3A_608 = arith.constant 285 : i32
      %add3A_609 = vector.broadcast %add3A_608 : i32 to vector<16xi32>
      %add3A_610 = arith.addi %add3A_609, %min3A_412 : vector<16xi32>
      %gather3A_611 = tpu.vector_load_idx %arg7[%add3A_610] : memref<368xf32, #tpu.memory_space<vmem>>[vector<16xi32>], vector<16xf32>,
      %add3A_612 = arith.addf %add3A_599, %gather3A_611 : vector<16xf32>
      %mul3A_613 = arith.constant 19 : i32
      %mul3A_614 = vector.broadcast %mul3A_613 : i32 to vector<16xi32>
      %mul3A_615 = arith.muli %min3A_412, %mul3A_614 : vector<16xi32>
      %add3A_616 = arith.constant 16 : i32
      %add3A_617 = vector.broadcast %add3A_616 : i32 to vector<16xi32>
      %add3A_618 = arith.addi %mul3A_615, %add3A_617 : vector<16xi32>
      %gather3A_619 = tpu.vector_load_idx %arg7[%add3A_618] : memref<368xf32, #tpu.memory_space<vmem>>[vector<16xi32>], vector<16xf32>,
      %add3A_620 = arith.addf %add3A_607, %gather3A_619 : vector<16xf32>
      %add3A_621 = arith.constant 304 : i32
      %add3A_622 = vector.broadcast %add3A_621 : i32 to vector<16xi32>
      %add3A_623 = arith.addi %add3A_622, %min3A_412 : vector<16xi32>
      %gather3A_624 = tpu.vector_load_idx %arg7[%add3A_623] : memref<368xf32, #tpu.memory_space<vmem>>[vector<16xi32>], vector<16xf32>,
      %add3A_625 = arith.addf %add3A_612, %gather3A_624 : vector<16xf32>
      %mul3A_626 = arith.constant 19 : i32
      %mul3A_627 = vector.broadcast %mul3A_626 : i32 to vector<16xi32>
      %mul3A_628 = arith.muli %min3A_412, %mul3A_627 : vector<16xi32>
      %add3A_629 = arith.constant 17 : i32
      %add3A_630 = vector.broadcast %add3A_629 : i32 to vector<16xi32>
      %add3A_631 = arith.addi %mul3A_628, %add3A_630 : vector<16xi32>
      %gather3A_632 = tpu.vector_load_idx %arg7[%add3A_631] : memref<368xf32, #tpu.memory_space<vmem>>[vector<16xi32>], vector<16xf32>,
      %add3A_633 = arith.addf %add3A_620, %gather3A_632 : vector<16xf32>
      %add3A_634 = arith.constant 323 : i32
      %add3A_635 = vector.broadcast %add3A_634 : i32 to vector<16xi32>
      %add3A_636 = arith.addi %add3A_635, %min3A_412 : vector<16xi32>
      %gather3A_637 = tpu.vector_load_idx %arg7[%add3A_636] : memref<368xf32, #tpu.memory_space<vmem>>[vector<16xi32>], vector<16xf32>,
      %add3A_638 = arith.addf %add3A_625, %gather3A_637 : vector<16xf32>
      %mul3A_639 = arith.constant 19 : i32
      %mul3A_640 = vector.broadcast %mul3A_639 : i32 to vector<16xi32>
      %mul3A_641 = arith.muli %min3A_412, %mul3A_640 : vector<16xi32>
      %add3A_642 = arith.constant 18 : i32
      %add3A_643 = vector.broadcast %add3A_642 : i32 to vector<16xi32>
      %add3A_644 = arith.addi %mul3A_641, %add3A_643 : vector<16xi32>
      %gather3A_645 = tpu.vector_load_idx %arg7[%add3A_644] : memref<368xf32, #tpu.memory_space<vmem>>[vector<16xi32>], vector<16xf32>,
      %add3A_646 = arith.addf %add3A_633, %gather3A_645 : vector<16xf32>
      %add3A_647 = arith.constant 342 : i32
      %add3A_648 = vector.broadcast %add3A_647 : i32 to vector<16xi32>
      %add3A_649 = arith.addi %add3A_648, %min3A_412 : vector<16xi32>
      %gather3A_650 = tpu.vector_load_idx %arg7[%add3A_649] : memref<368xf32, #tpu.memory_space<vmem>>[vector<16xi32>], vector<16xf32>,
      %add3A_651 = arith.addf %add3A_638, %gather3A_650 : vector<16xf32>
      %mul3A_652 = arith.constant 20 : i32
      %mul3A_653 = vector.broadcast %mul3A_652 : i32 to vector<16xi32>
      %mul3A_654 = arith.muli %min3A_412, %mul3A_653 : vector<16xi32>
      %gather3A_655 = tpu.vector_load_idx %arg7[%mul3A_654] : memref<368xf32, #tpu.memory_space<vmem>>[vector<16xi32>], vector<16xf32>,
      %add3A_656 = arith.addf %add3A_646, %add3A_651 : vector<16xf32>
      %sub3A_657 = arith.subf %add3A_656, %gather3A_655 : vector<16xf32>
      %max3A_658 = arith.constant 1.000000e+00 : f32
      %max3A_659 = vector.broadcast %max3A_658 : f32 to vector<16xf32>
      %max3A_660 = arith.maximumf %sub3A_657, %max3A_659 : vector<16xf32>
      %div3A_661 = arith.divf %gather3A_655, %max3A_660 : vector<16xf32>
      %swap3A_662 = arith.constant 16 : index
      %swap3A_663 = tpu.vector_load %arg9[%swap3A_662] {strides = array<i32>} : memref<32xf32, #tpu.memory_space<vmem>>, vector<16xf32>,
      tpu.vector_store %arg9[%swap3A_662], %div3A_661 {strides = array<i32>} : memref<32xf32, #tpu.memory_space<vmem>>, vector<16xf32>,
      %mul3A_664 = arith.constant 32 : i32
      %mul3A_665 = arith.muli %add3A_144, %mul3A_664 : i32
      "tpu.region"() ({
        %run_scoped3A = tpu.sem_alloc : memref<!tpu.dma_semaphore, #tpu.memory_space<semaphore_mem>>
        %dma_start3A_666 = tpu.memref_slice %arg3[%mul3A_665] : memref<256xf32, #tpu.memory_space<hbm>> -> memref<32xf32, #tpu.memory_space<hbm>>
        %dma_start3A_667 = tpu.memref_slice %arg3[%mul3A_665] : memref<256xf32, #tpu.memory_space<hbm>> -> memref<32xf32, #tpu.memory_space<hbm>>
        tpu.enqueue_dma source(%arg9 : memref<32xf32, #tpu.memory_space<vmem>>) target(%dma_start3A_667 : memref<32xf32, #tpu.memory_space<hbm>>) target_semaphore(%run_scoped3A : memref<!tpu.dma_semaphore, #tpu.memory_space<semaphore_mem>>)
        %dma_wait3A_668 = tpu.memref_slice %arg3[%mul3A_665] : memref<256xf32, #tpu.memory_space<hbm>> -> memref<32xf32, #tpu.memory_space<hbm>>
        %dma_wait3A_669 = tpu.memref_slice %arg3[%mul3A_665] : memref<256xf32, #tpu.memory_space<hbm>> -> memref<32xf32, #tpu.memory_space<hbm>>
        tpu.wait_dma2 semaphore(%run_scoped3A : memref<!tpu.dma_semaphore, #tpu.memory_space<semaphore_mem>>) src(%arg9 : memref<32xf32, #tpu.memory_space<vmem>>) dst(%dma_wait3A_669 : memref<32xf32, #tpu.memory_space<hbm>>)
        tpu.yield
      }) : () -> ()
    } else {
    }
    return
  }
}

module attributes {stable_mosaic.version = 14 : i64} {
  func.func @_argmax_body(%arg0: i32, %arg1: i32, %arg2: memref<1x19x256x512xf32, #tpu.memory_space<vmem>>, %arg3: memref<1x256x512xi32, #tpu.memory_space<vmem>>, %arg4: memref<1024x128xi32, #tpu.memory_space<vmem>>) attributes {dimension_semantics = [#tpu.dimension_semantics<parallel>, #tpu.dimension_semantics<parallel>], iteration_bounds = array<i64: 8, 2>, scalar_prefetch = 0 : i64, scratch_operands = 0 : i64, tpu.core_type = #tpu.core_type<tc>, window_params = [{transform_indices = @transform_0, window_bounds = array<i64: 1, 19, 256, 512>}, {transform_indices = @transform_1, window_bounds = array<i64: 1, 256, 512>}, {transform_indices = @transform_2, window_bounds = array<i64: 1024, 128>}]} {
    %get3A = arith.constant 0 : index
    %get3A_0 = arith.constant 0 : index
    %get3A_1 = arith.constant 0 : index
    %get3A_2 = arith.constant 0 : index
    %get3A_3 = vector.load %arg2[%get3A, %get3A_0, %get3A_1, %get3A_2] : memref<1x19x256x512xf32, #tpu.memory_space<vmem>>, vector<1x1x256x512xf32>
    %get3A_4 = vector.shape_cast %get3A_3 : vector<1x1x256x512xf32> to vector<256x512xf32>
    %broadcast_in_dim3A = arith.constant 0 : i32
    %broadcast_in_dim3A_5 = vector.broadcast %broadcast_in_dim3A : i32 to vector<256x512xi32>
    %get3A_6 = arith.constant 0 : index
    %get3A_7 = arith.constant 1 : index
    %get3A_8 = arith.constant 0 : index
    %get3A_9 = arith.constant 0 : index
    %get3A_10 = vector.load %arg2[%get3A_6, %get3A_7, %get3A_8, %get3A_9] : memref<1x19x256x512xf32, #tpu.memory_space<vmem>>, vector<1x1x256x512xf32>
    %get3A_11 = vector.shape_cast %get3A_10 : vector<1x1x256x512xf32> to vector<256x512xf32>
    %gt3A = arith.cmpf ogt, %get3A_11, %get3A_4 : vector<256x512xf32>
    %select_n3A = arith.select %gt3A, %get3A_11, %get3A_4 : vector<256x512xi1>, vector<256x512xf32>
    %jit3A = arith.constant 1 : i32
    %broadcast_in_dim3A_12 = vector.broadcast %jit3A : i32 to vector<256x512xi32>
    %select_n3A_13 = arith.select %gt3A, %broadcast_in_dim3A_12, %broadcast_in_dim3A_5 : vector<256x512xi1>, vector<256x512xi32>
    %get3A_14 = arith.constant 0 : index
    %get3A_15 = arith.constant 2 : index
    %get3A_16 = arith.constant 0 : index
    %get3A_17 = arith.constant 0 : index
    %get3A_18 = vector.load %arg2[%get3A_14, %get3A_15, %get3A_16, %get3A_17] : memref<1x19x256x512xf32, #tpu.memory_space<vmem>>, vector<1x1x256x512xf32>
    %get3A_19 = vector.shape_cast %get3A_18 : vector<1x1x256x512xf32> to vector<256x512xf32>
    %gt3A_20 = arith.cmpf ogt, %get3A_19, %select_n3A : vector<256x512xf32>
    %select_n3A_21 = arith.select %gt3A_20, %get3A_19, %select_n3A : vector<256x512xi1>, vector<256x512xf32>
    %jit3A_22 = arith.constant 2 : i32
    %broadcast_in_dim3A_23 = vector.broadcast %jit3A_22 : i32 to vector<256x512xi32>
    %select_n3A_24 = arith.select %gt3A_20, %broadcast_in_dim3A_23, %select_n3A_13 : vector<256x512xi1>, vector<256x512xi32>
    %get3A_25 = arith.constant 0 : index
    %get3A_26 = arith.constant 3 : index
    %get3A_27 = arith.constant 0 : index
    %get3A_28 = arith.constant 0 : index
    %get3A_29 = vector.load %arg2[%get3A_25, %get3A_26, %get3A_27, %get3A_28] : memref<1x19x256x512xf32, #tpu.memory_space<vmem>>, vector<1x1x256x512xf32>
    %get3A_30 = vector.shape_cast %get3A_29 : vector<1x1x256x512xf32> to vector<256x512xf32>
    %gt3A_31 = arith.cmpf ogt, %get3A_30, %select_n3A_21 : vector<256x512xf32>
    %select_n3A_32 = arith.select %gt3A_31, %get3A_30, %select_n3A_21 : vector<256x512xi1>, vector<256x512xf32>
    %jit3A_33 = arith.constant 3 : i32
    %broadcast_in_dim3A_34 = vector.broadcast %jit3A_33 : i32 to vector<256x512xi32>
    %select_n3A_35 = arith.select %gt3A_31, %broadcast_in_dim3A_34, %select_n3A_24 : vector<256x512xi1>, vector<256x512xi32>
    %get3A_36 = arith.constant 0 : index
    %get3A_37 = arith.constant 4 : index
    %get3A_38 = arith.constant 0 : index
    %get3A_39 = arith.constant 0 : index
    %get3A_40 = vector.load %arg2[%get3A_36, %get3A_37, %get3A_38, %get3A_39] : memref<1x19x256x512xf32, #tpu.memory_space<vmem>>, vector<1x1x256x512xf32>
    %get3A_41 = vector.shape_cast %get3A_40 : vector<1x1x256x512xf32> to vector<256x512xf32>
    %gt3A_42 = arith.cmpf ogt, %get3A_41, %select_n3A_32 : vector<256x512xf32>
    %select_n3A_43 = arith.select %gt3A_42, %get3A_41, %select_n3A_32 : vector<256x512xi1>, vector<256x512xf32>
    %jit3A_44 = arith.constant 4 : i32
    %broadcast_in_dim3A_45 = vector.broadcast %jit3A_44 : i32 to vector<256x512xi32>
    %select_n3A_46 = arith.select %gt3A_42, %broadcast_in_dim3A_45, %select_n3A_35 : vector<256x512xi1>, vector<256x512xi32>
    %get3A_47 = arith.constant 0 : index
    %get3A_48 = arith.constant 5 : index
    %get3A_49 = arith.constant 0 : index
    %get3A_50 = arith.constant 0 : index
    %get3A_51 = vector.load %arg2[%get3A_47, %get3A_48, %get3A_49, %get3A_50] : memref<1x19x256x512xf32, #tpu.memory_space<vmem>>, vector<1x1x256x512xf32>
    %get3A_52 = vector.shape_cast %get3A_51 : vector<1x1x256x512xf32> to vector<256x512xf32>
    %gt3A_53 = arith.cmpf ogt, %get3A_52, %select_n3A_43 : vector<256x512xf32>
    %select_n3A_54 = arith.select %gt3A_53, %get3A_52, %select_n3A_43 : vector<256x512xi1>, vector<256x512xf32>
    %jit3A_55 = arith.constant 5 : i32
    %broadcast_in_dim3A_56 = vector.broadcast %jit3A_55 : i32 to vector<256x512xi32>
    %select_n3A_57 = arith.select %gt3A_53, %broadcast_in_dim3A_56, %select_n3A_46 : vector<256x512xi1>, vector<256x512xi32>
    %get3A_58 = arith.constant 0 : index
    %get3A_59 = arith.constant 6 : index
    %get3A_60 = arith.constant 0 : index
    %get3A_61 = arith.constant 0 : index
    %get3A_62 = vector.load %arg2[%get3A_58, %get3A_59, %get3A_60, %get3A_61] : memref<1x19x256x512xf32, #tpu.memory_space<vmem>>, vector<1x1x256x512xf32>
    %get3A_63 = vector.shape_cast %get3A_62 : vector<1x1x256x512xf32> to vector<256x512xf32>
    %gt3A_64 = arith.cmpf ogt, %get3A_63, %select_n3A_54 : vector<256x512xf32>
    %select_n3A_65 = arith.select %gt3A_64, %get3A_63, %select_n3A_54 : vector<256x512xi1>, vector<256x512xf32>
    %jit3A_66 = arith.constant 6 : i32
    %broadcast_in_dim3A_67 = vector.broadcast %jit3A_66 : i32 to vector<256x512xi32>
    %select_n3A_68 = arith.select %gt3A_64, %broadcast_in_dim3A_67, %select_n3A_57 : vector<256x512xi1>, vector<256x512xi32>
    %get3A_69 = arith.constant 0 : index
    %get3A_70 = arith.constant 7 : index
    %get3A_71 = arith.constant 0 : index
    %get3A_72 = arith.constant 0 : index
    %get3A_73 = vector.load %arg2[%get3A_69, %get3A_70, %get3A_71, %get3A_72] : memref<1x19x256x512xf32, #tpu.memory_space<vmem>>, vector<1x1x256x512xf32>
    %get3A_74 = vector.shape_cast %get3A_73 : vector<1x1x256x512xf32> to vector<256x512xf32>
    %gt3A_75 = arith.cmpf ogt, %get3A_74, %select_n3A_65 : vector<256x512xf32>
    %select_n3A_76 = arith.select %gt3A_75, %get3A_74, %select_n3A_65 : vector<256x512xi1>, vector<256x512xf32>
    %jit3A_77 = arith.constant 7 : i32
    %broadcast_in_dim3A_78 = vector.broadcast %jit3A_77 : i32 to vector<256x512xi32>
    %select_n3A_79 = arith.select %gt3A_75, %broadcast_in_dim3A_78, %select_n3A_68 : vector<256x512xi1>, vector<256x512xi32>
    %get3A_80 = arith.constant 0 : index
    %get3A_81 = arith.constant 8 : index
    %get3A_82 = arith.constant 0 : index
    %get3A_83 = arith.constant 0 : index
    %get3A_84 = vector.load %arg2[%get3A_80, %get3A_81, %get3A_82, %get3A_83] : memref<1x19x256x512xf32, #tpu.memory_space<vmem>>, vector<1x1x256x512xf32>
    %get3A_85 = vector.shape_cast %get3A_84 : vector<1x1x256x512xf32> to vector<256x512xf32>
    %gt3A_86 = arith.cmpf ogt, %get3A_85, %select_n3A_76 : vector<256x512xf32>
    %select_n3A_87 = arith.select %gt3A_86, %get3A_85, %select_n3A_76 : vector<256x512xi1>, vector<256x512xf32>
    %jit3A_88 = arith.constant 8 : i32
    %broadcast_in_dim3A_89 = vector.broadcast %jit3A_88 : i32 to vector<256x512xi32>
    %select_n3A_90 = arith.select %gt3A_86, %broadcast_in_dim3A_89, %select_n3A_79 : vector<256x512xi1>, vector<256x512xi32>
    %get3A_91 = arith.constant 0 : index
    %get3A_92 = arith.constant 9 : index
    %get3A_93 = arith.constant 0 : index
    %get3A_94 = arith.constant 0 : index
    %get3A_95 = vector.load %arg2[%get3A_91, %get3A_92, %get3A_93, %get3A_94] : memref<1x19x256x512xf32, #tpu.memory_space<vmem>>, vector<1x1x256x512xf32>
    %get3A_96 = vector.shape_cast %get3A_95 : vector<1x1x256x512xf32> to vector<256x512xf32>
    %gt3A_97 = arith.cmpf ogt, %get3A_96, %select_n3A_87 : vector<256x512xf32>
    %select_n3A_98 = arith.select %gt3A_97, %get3A_96, %select_n3A_87 : vector<256x512xi1>, vector<256x512xf32>
    %jit3A_99 = arith.constant 9 : i32
    %broadcast_in_dim3A_100 = vector.broadcast %jit3A_99 : i32 to vector<256x512xi32>
    %select_n3A_101 = arith.select %gt3A_97, %broadcast_in_dim3A_100, %select_n3A_90 : vector<256x512xi1>, vector<256x512xi32>
    %get3A_102 = arith.constant 0 : index
    %get3A_103 = arith.constant 10 : index
    %get3A_104 = arith.constant 0 : index
    %get3A_105 = arith.constant 0 : index
    %get3A_106 = vector.load %arg2[%get3A_102, %get3A_103, %get3A_104, %get3A_105] : memref<1x19x256x512xf32, #tpu.memory_space<vmem>>, vector<1x1x256x512xf32>
    %get3A_107 = vector.shape_cast %get3A_106 : vector<1x1x256x512xf32> to vector<256x512xf32>
    %gt3A_108 = arith.cmpf ogt, %get3A_107, %select_n3A_98 : vector<256x512xf32>
    %select_n3A_109 = arith.select %gt3A_108, %get3A_107, %select_n3A_98 : vector<256x512xi1>, vector<256x512xf32>
    %jit3A_110 = arith.constant 10 : i32
    %broadcast_in_dim3A_111 = vector.broadcast %jit3A_110 : i32 to vector<256x512xi32>
    %select_n3A_112 = arith.select %gt3A_108, %broadcast_in_dim3A_111, %select_n3A_101 : vector<256x512xi1>, vector<256x512xi32>
    %get3A_113 = arith.constant 0 : index
    %get3A_114 = arith.constant 11 : index
    %get3A_115 = arith.constant 0 : index
    %get3A_116 = arith.constant 0 : index
    %get3A_117 = vector.load %arg2[%get3A_113, %get3A_114, %get3A_115, %get3A_116] : memref<1x19x256x512xf32, #tpu.memory_space<vmem>>, vector<1x1x256x512xf32>
    %get3A_118 = vector.shape_cast %get3A_117 : vector<1x1x256x512xf32> to vector<256x512xf32>
    %gt3A_119 = arith.cmpf ogt, %get3A_118, %select_n3A_109 : vector<256x512xf32>
    %select_n3A_120 = arith.select %gt3A_119, %get3A_118, %select_n3A_109 : vector<256x512xi1>, vector<256x512xf32>
    %jit3A_121 = arith.constant 11 : i32
    %broadcast_in_dim3A_122 = vector.broadcast %jit3A_121 : i32 to vector<256x512xi32>
    %select_n3A_123 = arith.select %gt3A_119, %broadcast_in_dim3A_122, %select_n3A_112 : vector<256x512xi1>, vector<256x512xi32>
    %get3A_124 = arith.constant 0 : index
    %get3A_125 = arith.constant 12 : index
    %get3A_126 = arith.constant 0 : index
    %get3A_127 = arith.constant 0 : index
    %get3A_128 = vector.load %arg2[%get3A_124, %get3A_125, %get3A_126, %get3A_127] : memref<1x19x256x512xf32, #tpu.memory_space<vmem>>, vector<1x1x256x512xf32>
    %get3A_129 = vector.shape_cast %get3A_128 : vector<1x1x256x512xf32> to vector<256x512xf32>
    %gt3A_130 = arith.cmpf ogt, %get3A_129, %select_n3A_120 : vector<256x512xf32>
    %select_n3A_131 = arith.select %gt3A_130, %get3A_129, %select_n3A_120 : vector<256x512xi1>, vector<256x512xf32>
    %jit3A_132 = arith.constant 12 : i32
    %broadcast_in_dim3A_133 = vector.broadcast %jit3A_132 : i32 to vector<256x512xi32>
    %select_n3A_134 = arith.select %gt3A_130, %broadcast_in_dim3A_133, %select_n3A_123 : vector<256x512xi1>, vector<256x512xi32>
    %get3A_135 = arith.constant 0 : index
    %get3A_136 = arith.constant 13 : index
    %get3A_137 = arith.constant 0 : index
    %get3A_138 = arith.constant 0 : index
    %get3A_139 = vector.load %arg2[%get3A_135, %get3A_136, %get3A_137, %get3A_138] : memref<1x19x256x512xf32, #tpu.memory_space<vmem>>, vector<1x1x256x512xf32>
    %get3A_140 = vector.shape_cast %get3A_139 : vector<1x1x256x512xf32> to vector<256x512xf32>
    %gt3A_141 = arith.cmpf ogt, %get3A_140, %select_n3A_131 : vector<256x512xf32>
    %select_n3A_142 = arith.select %gt3A_141, %get3A_140, %select_n3A_131 : vector<256x512xi1>, vector<256x512xf32>
    %jit3A_143 = arith.constant 13 : i32
    %broadcast_in_dim3A_144 = vector.broadcast %jit3A_143 : i32 to vector<256x512xi32>
    %select_n3A_145 = arith.select %gt3A_141, %broadcast_in_dim3A_144, %select_n3A_134 : vector<256x512xi1>, vector<256x512xi32>
    %get3A_146 = arith.constant 0 : index
    %get3A_147 = arith.constant 14 : index
    %get3A_148 = arith.constant 0 : index
    %get3A_149 = arith.constant 0 : index
    %get3A_150 = vector.load %arg2[%get3A_146, %get3A_147, %get3A_148, %get3A_149] : memref<1x19x256x512xf32, #tpu.memory_space<vmem>>, vector<1x1x256x512xf32>
    %get3A_151 = vector.shape_cast %get3A_150 : vector<1x1x256x512xf32> to vector<256x512xf32>
    %gt3A_152 = arith.cmpf ogt, %get3A_151, %select_n3A_142 : vector<256x512xf32>
    %select_n3A_153 = arith.select %gt3A_152, %get3A_151, %select_n3A_142 : vector<256x512xi1>, vector<256x512xf32>
    %jit3A_154 = arith.constant 14 : i32
    %broadcast_in_dim3A_155 = vector.broadcast %jit3A_154 : i32 to vector<256x512xi32>
    %select_n3A_156 = arith.select %gt3A_152, %broadcast_in_dim3A_155, %select_n3A_145 : vector<256x512xi1>, vector<256x512xi32>
    %get3A_157 = arith.constant 0 : index
    %get3A_158 = arith.constant 15 : index
    %get3A_159 = arith.constant 0 : index
    %get3A_160 = arith.constant 0 : index
    %get3A_161 = vector.load %arg2[%get3A_157, %get3A_158, %get3A_159, %get3A_160] : memref<1x19x256x512xf32, #tpu.memory_space<vmem>>, vector<1x1x256x512xf32>
    %get3A_162 = vector.shape_cast %get3A_161 : vector<1x1x256x512xf32> to vector<256x512xf32>
    %gt3A_163 = arith.cmpf ogt, %get3A_162, %select_n3A_153 : vector<256x512xf32>
    %select_n3A_164 = arith.select %gt3A_163, %get3A_162, %select_n3A_153 : vector<256x512xi1>, vector<256x512xf32>
    %jit3A_165 = arith.constant 15 : i32
    %broadcast_in_dim3A_166 = vector.broadcast %jit3A_165 : i32 to vector<256x512xi32>
    %select_n3A_167 = arith.select %gt3A_163, %broadcast_in_dim3A_166, %select_n3A_156 : vector<256x512xi1>, vector<256x512xi32>
    %get3A_168 = arith.constant 0 : index
    %get3A_169 = arith.constant 16 : index
    %get3A_170 = arith.constant 0 : index
    %get3A_171 = arith.constant 0 : index
    %get3A_172 = vector.load %arg2[%get3A_168, %get3A_169, %get3A_170, %get3A_171] : memref<1x19x256x512xf32, #tpu.memory_space<vmem>>, vector<1x1x256x512xf32>
    %get3A_173 = vector.shape_cast %get3A_172 : vector<1x1x256x512xf32> to vector<256x512xf32>
    %gt3A_174 = arith.cmpf ogt, %get3A_173, %select_n3A_164 : vector<256x512xf32>
    %select_n3A_175 = arith.select %gt3A_174, %get3A_173, %select_n3A_164 : vector<256x512xi1>, vector<256x512xf32>
    %jit3A_176 = arith.constant 16 : i32
    %broadcast_in_dim3A_177 = vector.broadcast %jit3A_176 : i32 to vector<256x512xi32>
    %select_n3A_178 = arith.select %gt3A_174, %broadcast_in_dim3A_177, %select_n3A_167 : vector<256x512xi1>, vector<256x512xi32>
    %get3A_179 = arith.constant 0 : index
    %get3A_180 = arith.constant 17 : index
    %get3A_181 = arith.constant 0 : index
    %get3A_182 = arith.constant 0 : index
    %get3A_183 = vector.load %arg2[%get3A_179, %get3A_180, %get3A_181, %get3A_182] : memref<1x19x256x512xf32, #tpu.memory_space<vmem>>, vector<1x1x256x512xf32>
    %get3A_184 = vector.shape_cast %get3A_183 : vector<1x1x256x512xf32> to vector<256x512xf32>
    %gt3A_185 = arith.cmpf ogt, %get3A_184, %select_n3A_175 : vector<256x512xf32>
    %select_n3A_186 = arith.select %gt3A_185, %get3A_184, %select_n3A_175 : vector<256x512xi1>, vector<256x512xf32>
    %jit3A_187 = arith.constant 17 : i32
    %broadcast_in_dim3A_188 = vector.broadcast %jit3A_187 : i32 to vector<256x512xi32>
    %select_n3A_189 = arith.select %gt3A_185, %broadcast_in_dim3A_188, %select_n3A_178 : vector<256x512xi1>, vector<256x512xi32>
    %get3A_190 = arith.constant 0 : index
    %get3A_191 = arith.constant 18 : index
    %get3A_192 = arith.constant 0 : index
    %get3A_193 = arith.constant 0 : index
    %get3A_194 = vector.load %arg2[%get3A_190, %get3A_191, %get3A_192, %get3A_193] : memref<1x19x256x512xf32, #tpu.memory_space<vmem>>, vector<1x1x256x512xf32>
    %get3A_195 = vector.shape_cast %get3A_194 : vector<1x1x256x512xf32> to vector<256x512xf32>
    %gt3A_196 = arith.cmpf ogt, %get3A_195, %select_n3A_186 : vector<256x512xf32>
    %jit3A_197 = arith.constant 18 : i32
    %broadcast_in_dim3A_198 = vector.broadcast %jit3A_197 : i32 to vector<256x512xi32>
    %select_n3A_199 = arith.select %gt3A_196, %broadcast_in_dim3A_198, %select_n3A_189 : vector<256x512xi1>, vector<256x512xi32>
    %get3A_200 = arith.constant 0 : index
    %get3A_201 = arith.constant 0 : index
    %get3A_202 = arith.constant 0 : index
    %get3A_203 = vector.load %arg3[%get3A_200, %get3A_201, %get3A_202] : memref<1x256x512xi32, #tpu.memory_space<vmem>>, vector<1x256x512xi32>
    %get3A_204 = vector.shape_cast %get3A_203 : vector<1x256x512xi32> to vector<256x512xi32>
    %ge3A = arith.constant 0 : i32
    %ge3A_205 = vector.broadcast %ge3A : i32 to vector<256x512xi32>
    %ge3A_206 = arith.cmpi sge, %get3A_204, %ge3A_205 : vector<256x512xi32>
    %lt3A = arith.constant 19 : i32
    %lt3A_207 = vector.broadcast %lt3A : i32 to vector<256x512xi32>
    %lt3A_208 = arith.cmpi slt, %get3A_204, %lt3A_207 : vector<256x512xi32>
    %and3A = arith.andi %ge3A_206, %lt3A_208 : vector<256x512xi1>
    %mul3A = arith.constant 19 : i32
    %mul3A_209 = vector.broadcast %mul3A : i32 to vector<256x512xi32>
    %mul3A_210 = arith.muli %get3A_204, %mul3A_209 : vector<256x512xi32>
    %add3A = arith.addi %mul3A_210, %select_n3A_199 : vector<256x512xi32>
    %jit3A_211 = arith.constant 361 : i32
    %broadcast_in_dim3A_212 = vector.broadcast %jit3A_211 : i32 to vector<256x512xi32>
    %select_n3A_213 = arith.select %and3A, %add3A, %broadcast_in_dim3A_212 : vector<256x512xi1>, vector<256x512xi32>
    %reshape3A = vector.shape_cast %select_n3A_213 : vector<256x512xi32> to vector<1024x128xi32>
    %swap3A = arith.constant 0 : index
    %swap3A_214 = arith.constant 0 : index
    %swap3A_215 = vector.load %arg4[%swap3A, %swap3A_214] : memref<1024x128xi32, #tpu.memory_space<vmem>>, vector<1024x128xi32>
    tpu.vector_store %arg4[%swap3A, %swap3A_214], %reshape3A {strides = array<i32>} : memref<1024x128xi32, #tpu.memory_space<vmem>>, vector<1024x128xi32>,
    return
  }
  func.func @transform_0(%arg0: i32, %arg1: i32) -> (i32, i32, i32, i32) {
    %add3A = arith.constant 0 : i32
    %add3A_0 = arith.addi %add3A, %arg0 : i32
    %c0_i32 = arith.constant 0 : i32
    %c0_i32_1 = arith.constant 0 : i32
    %c0_i32_2 = arith.constant 0 : i32
    return %add3A_0, %c0_i32, %arg1, %c0_i32_1 : i32, i32, i32, i32
  }
  func.func @transform_1(%arg0: i32, %arg1: i32) -> (i32, i32, i32) {
    %add3A = arith.constant 0 : i32
    %add3A_0 = arith.addi %add3A, %arg0 : i32
    %c0_i32 = arith.constant 0 : i32
    %c0_i32_1 = arith.constant 0 : i32
    return %add3A_0, %arg1, %c0_i32 : i32, i32, i32
  }
  func.func @transform_2(%arg0: i32, %arg1: i32) -> (i32, i32) {
    %mul3A = arith.constant 2 : i32
    %mul3A_0 = arith.muli %arg0, %mul3A : i32
    %add3A = arith.addi %mul3A_0, %arg1 : i32
    %c0_i32 = arith.constant 0 : i32
    %c0_i32_1 = arith.constant 0 : i32
    return %add3A, %c0_i32 : i32, i32
  }
}

</mosaic_0001>

<sc_bundles>
// kernel: kernel.4.cloned.1.call-start
scs
__scs_entry_jumppad:
0x0: {  	(pc) =	sbr.rel $0x88, $3  }
0x1: {  	(tag) =	ssettag $0x0;
	lr =	simm.s32 $0x1  }
0x2: {  	[smem:$0x3F9F] =	sst lr;
	_ =	strace $0xD0000000  }
0x3: {  	_ = 	snop  }
0x4: {  	_ = 	snop  }
0x5: {  	_ = 	snop  }
0x6: {  	_ = 	snop  }
0x7: {  	_ = 	snop  }
__scs_overlays_trampoline_lowered:
0x8: {  	[smem:$0x3FAE] =	sst s0  }
0x9: {  	[smem:$0x3FAF] =	sst s1  }
0xa: {  	[smem:$0x3FB0] =	sst s2  }
0xb: {  	[smem:$0x3FB1] =	sst s3  }
0xc: {  	[smem:$0x3FB2] =	sst s4  }
0xd: {  	[smem:$0x3FB3] =	sst s5  }
0xe: {  	[smem:$0x3FB4] =	sst s6  }
0xf: {  	[smem:$0x3FB5] =	sst s7  }
0x10: {  	[smem:$0x3FB6] =	sst s8  }
0x11: {  	[smem:$0x3FB7] =	sst s9;
	s0 =	simm.s32 @!p0 $0x0  }
0x12: {  	s1 =	sld [smem:$0x3F9D];
	s0 =	simm.s32 @p0 $0x1  }
0x13: {  	[smem:$0x3FB8] =	sst s0;
	s0 =	simm.s32 @!p1 $0x0  }
0x14: {  	s2 =	sld [smem:$0x3F9C];
	s0 =	simm.s32 @p1 $0x1  }
0x15: {  	[smem:$0x3FB9] =	sst s0;
	s0 =	simm.s32 @!p2 $0x0  }
0x16: {  	s3 =	sld [smem:$0x3FDB];
	s0 =	simm.s32 @p2 $0x1  }
0x17: {  	s4 =	simm.s32 $0x1BF5;
	[smem:$0x3FBB] =	sst s0  }
0x18: {  	s0 =	sld [smem:$0x3F9E];
	_ =	swait.ge [sflag:s4], $0x0  }
0x19: {  	s7 =	sld [smem:$0x3F9F]  }
0x1a: {  	s8 =	sadd.s32 $0xFFFFE003, lr  }
0x1b: {  	s9 =	sadd.s32 $0xFFFFFEF7, lr;
	s5 =	simm.s32 $0xFFFFFFFF;
	p2 =	slt.u32 s8, $0xFFFFF086  }
0x1c: {  	p1 =	slt.u32 s9, $0xF7A;
	s5 =	simm.s32 @!p2 $0x0  }
0x1d: {  	s5 =	simm.s32 @p1 $0x1;
	p0 =	seq.s32 s7, s2  }
0x1e: {  	s7 =	smul.u32 @!p0 $0xF7A, s2;
	p2 =	seq.s32 @!p0 s5, $0x0  }
0x1f: {  	s9 =	smul.u32 $0xF7A, s1;
	s8 =	simm.s32 @!p0 $0x1BF5;
	p2 =	por !p2, p0  }
0x20: {  	[sflag:s8] =	ssyncset.s32 @!p0 $0xFFFFF086;
	s6 =	sadd.s32 @!p0 s3, s7;
	s7 =	simm.s32 @!p0 $0x108  }
0x21: {  	s3 =	sadd.s32 s3, s9;
	s6 =	sadd.s32 @!p0 $0x88, s6;
	s7 =	simm.s32 @p2 $0x1082  }
0x22: {  	[simem:s7], [sflag:s8] =	dma.local @!p0 [hbm:s6], $0xF7A  }
0x23: {  	s9 =	sor.u32 $0xD0000000, s2;
	s6 =	simm.s32 $0x108;
	_ =	swait.ge @!p0 [sflag:s8], $0x0  }
0x24: {  	s3 =	sadd.s32 $0x88, s3;
	s6 =	simm.s32 @!p1 $0x1082;
	[sflag:s4] =	ssyncset.s32 $0xFFFFF086  }
0x25: {  	[simem:s6], [sflag:s4] =	dma.local [hbm:s3], $0xF7A  }
0x26: {  	[smem:$0x3F9F] =	sst s1;
	(tag) =	ssettag s2;
	_ =	strace s9  }
0x27: {  	s1 =	sld [smem:$0x3FAF]  }
0x28: {  	s2 =	sld [smem:$0x3FB0]  }
0x29: {  	s4 =	sld [smem:$0x3FB2]  }
0x2a: {  	p0 =	seq.s32 s5, $0x0;
	s5 =	sld [smem:$0x3FB3]  }
0x2b: {  	s6 =	sld [smem:$0x3FB4]  }
0x2c: {  	s7 =	sld [smem:$0x3FB5]  }
0x2d: {  	s3 =	simm.s32 $0x108;
	s8 =	sld [smem:$0x3FB6]  }
0x2e: {  	s3 =	simm.s32 @!p0 $0x1082;
	s9 =	sld [smem:$0x3FB7]  }
0x2f: {  	lr =	sadd.s32 s0, s3;
	s0 =	sld [smem:$0x3FAE]  }
0x30: {  	s3 =	sld [smem:$0x3FB1]  }
0x31: {  	[smem:$0x3FBA] =	sst s10  }
0x32: {  	s10 =	sld [smem:$0x3FB8];
	_ =	sdelay $0x3  }
0x33: {  	p0 =	seq.s32 s10, $0x1;
	s10 =	sld [smem:$0x3FBA];
	_ =	sdelay $0x3  }
0x34: {  	[smem:$0x3FBA] =	sst s10  }
0x35: {  	s10 =	sld [smem:$0x3FB9];
	_ =	sdelay $0x3  }
0x36: {  	p1 =	seq.s32 s10, $0x1;
	s10 =	sld [smem:$0x3FBA];
	_ =	sdelay $0x3  }
0x37: {  	[smem:$0x3FBA] =	sst s10  }
0x38: {  	s10 =	sld [smem:$0x3FBB]  }
0x39: {  	_ = 	snop;
	(pc) =	sbr.ind lr, $3  }
0x3a: {  	_ = 	snop  }
0x3b: {  	_ = 	snop  }
0x3c: {  	p2 =	seq.s32 s10, $0x1;
	s10 =	sld [smem:$0x3FBA]  }
0x3d: {  	_ =	shalt  }
0x3e: {  	_ =	shalt  }
0x3f: {  	_ =	shalt  }
0x40: {  	_ =	shalt  }
0x41: {  	_ =	shalt  }
0x42: {  	_ =	shalt  }
0x43: {  	_ =	shalt  }
0x44: {  	_ =	shalt  }
0x45: {  	_ =	shalt  }
0x46: {  	_ =	shalt  }
0x47: {  	_ =	shalt  }
0x48: {  	_ =	shalt  }
0x49: {  	_ =	shalt  }
0x4a: {  	_ =	shalt  }
0x4b: {  	_ =	shalt  }
0x4c: {  	_ =	shalt  }
0x4d: {  	_ =	shalt  }
0x4e: {  	_ =	shalt  }
0x4f: {  	_ =	shalt  }
0x50: {  	_ =	shalt  }
0x51: {  	_ =	shalt  }
0x52: {  	_ =	shalt  }
0x53: {  	_ =	shalt  }
0x54: {  	_ =	shalt  }
0x55: {  	_ =	shalt  }
0x56: {  	_ =	shalt  }
0x57: {  	_ =	shalt  }
0x58: {  	_ =	shalt  }
0x59: {  	_ =	shalt  }
0x5a: {  	_ =	shalt  }
0x5b: {  	_ =	shalt  }
0x5c: {  	_ =	shalt  }
0x5d: {  	_ =	shalt  }
0x5e: {  	_ =	shalt  }
0x5f: {  	_ =	shalt  }
0x60: {  	_ =	shalt  }
0x61: {  	_ =	shalt  }
0x62: {  	_ =	shalt  }
0x63: {  	_ =	shalt  }
0x64: {  	_ =	shalt  }
0x65: {  	_ =	shalt  }
0x66: {  	_ =	shalt  }
0x67: {  	_ =	shalt  }
0x68: {  	_ =	shalt  }
0x69: {  	_ =	shalt  }
0x6a: {  	_ =	shalt  }
0x6b: {  	_ =	shalt  }
0x6c: {  	_ =	shalt  }
0x6d: {  	_ =	shalt  }
0x6e: {  	_ =	shalt  }
0x6f: {  	_ =	shalt  }
0x70: {  	_ =	shalt  }
0x71: {  	_ =	shalt  }
0x72: {  	_ =	shalt  }
0x73: {  	_ =	shalt  }
0x74: {  	_ =	shalt  }
0x75: {  	_ =	shalt  }
0x76: {  	_ =	shalt  }
0x77: {  	_ =	shalt  }
0x78: {  	_ =	shalt  }
0x79: {  	_ =	shalt  }
0x7a: {  	_ =	shalt  }
0x7b: {  	_ =	shalt  }
0x7c: {  	_ =	shalt  }
0x7d: {  	_ =	shalt  }
0x7e: {  	_ =	shalt  }
0x7f: {  	_ =	shalt  }
0x80: {  	_ =	shalt  }
0x81: {  	_ =	shalt  }
0x82: {  	_ =	shalt  }
0x83: {  	_ =	shalt  }
0x84: {  	_ =	shalt  }
0x85: {  	_ =	shalt  }
0x86: {  	_ =	shalt  }
0x87: {  	_ =	shalt  }
.Lfunc_end0:
.L_simem_size_0:
called_computation_lowered:
.L_overlay_start_0:
0x88: {  	s2 =	sld [smem:$0x3FD9]  }
0x89: {  	s3 =	sld [smem:$0x3FFE];
	_ =	sdelay $0x1  }
0x8a: {  	s1 =	srdreg.scid  }
0x8b: {  	s0 =	sand.u32 $0x1, s1  }
0x8c: {  	s16 =	sshll.u32 s0, $0xA;
	s2 =	sadd.s32 s3, s2  }
0x8d: {  	s2 =	sadd.s32 s2, s16  }
0x8e: {  	[smem:$0x3FC6] =	sst s2  }
0x8f: {  	_ = 	snop  }
0x90: {  	(tm) =	ssettm $0x1  }
0x91: {  	s17 =	sld [smem:$0x3FFB];
	_ =	sdelay $0x3  }
0x92: {  	_ =	strace s17  }
0x93: {  	s2 =	sld [smem:$0x3FFC];
	_ =	sdelay $0x3  }
0x94: {  	_ =	strace s2  }
0x95: {  	s2 =	sld [smem:$0x3FFD];
	_ =	sdelay $0x3  }
0x96: {  	_ =	strace s2  }
0x97: {  	_ =	strace $0x8FFFFFFF  }
0x98: {  	s18 =	sld [smem:$0x3FDB];
	_ =	sdelay $0x1  }
0x99: {  	s19 =	simm.s32 $_scs_section_size  }
0x9a: {  	s4 =	simm.s32 $_size__tile_overlayer_lowered;
	s5 =	simm.s32 $_tile_overlayer_lowered  }
0x9b: {  	s22 =	simm.s32 $0x1BFF;
	s21 =	sshll.u32 s5, $0x1;
	s2 =	sadd.s32 s19, s18  }
0x9c: {  	s6 =	simm.s32 $0x0;
	s20 =	sshll.u32 s4, $0x1;
	s4 =	sadd.s32 s21, s2  }
0x9d: {  	[timem:s6], [sflag:s22] =	dma.local [hbm:s4], s20  }
0x9e: {  	_ =	swait.ge [sflag:s22], s20  }
0x9f: {  	s3 =	ssub.s32 $0x0, s20;
	[sflag:s22] =	ssyncset.done $0x0  }
0xa0: {  	[sflag:s22] =	ssyncadd.s32 s3;
	_ =	sdelay $0x1  }
0xa1: {  	s23 =	simm.s32 $0x1B8B  }
0xa2: {  	_ =	swait.ge [sflag:s23], $0x1  }
0xa3: {  	[sflag:s23] =	ssyncset.done $0x0  }
0xa4: {  	s25 =	simm.s32 $0x1B8E;
	s24 =	sld [smem:$0x3FFE];
	[sflag:s23] =	ssyncadd.s32 $0xFFFFFFFF  }
0xa5: {  	s26 =	simm.s32 $execute0_lowered;
	[smem:$0x3FD2] =	sst s25  }
0xa6: {  	s4 =	sshll.u32 s26, $0x1;
	_ =	strace $0x80000046;
	[dreg:$0x1] =	wrdreg $0xFFFFFFFF  }
0xa7: {  	s28 =	simm.s32 $_size_execute0_lowered;
	s2 =	sadd.s32 s2, s4;
	[dreg:$0x0] =	wrdreg $0x0  }
0xa8: {  	s4 =	sshll.u32 s28, $0x1;
	[dreg:$0x2] =	wrdreg s2  }
0xa9: {  	[dreg:$0x3] =	wrdreg s4  }
0xaa: {  	[dreg:$0x4] =	wrdreg $0xC0  }
0xab: {  	_ =	task [dreg:s6], $0x5FFFF  }
0xac: {  	[dreg:$0x1] =	wrdreg $0xFFFFFFFF  }
0xad: {  	[dreg:$0x0] =	wrdreg $0x60  }
0xae: {  	[dreg:$0x2] =	wrdreg s24  }
0xaf: {  	[dreg:$0x3] =	wrdreg $0x9F000  }
0xb0: {  	[dreg:$0x4] =	wrdreg $0x9  }
0xb1: {  	_ =	task.clear_ibuf [dreg:s6], $0x5FFFF;
	_ =	strace $0x90000046  }
0xb2: {  	s29 =	simm.s32 $0x9;
	_ =	strace $0x80000048  }
0xb3: {  	_ =	swait.ge [sflag:s29], $0x1  }
0xb4: {  	[sflag:s29] =	ssyncadd.s32 $0xFFFFFFFF  }
0xb5: {  	_ =	strace $0x90000048  }
0xb6: {  	_ =	sfence  }
0xb7: {  	s30 =	sld [smem:$0x0];
	_ =	sdelay $0x2  }
0xb8: {  	s31 =	sshll.u32 s1, $0xD;
	s1 =	sshrl.u32 s1, $0x2  }
0xb9: {  	s3 =	sand.u32 $0x4000, s31;
	s1 =	sadd.s32 s1, s30  }
0xba: {  	s0 =	sor.u32 s3, s0;
	s1 =	sshll.u32 s1, $0x11  }
0xbb: {  	s0 =	sor.u32 s1, s0  }
0xbc: {  	s0 =	sadd.s32 $0x8F2B, s0  }
0xbd: {  	[sflag:s0] =	ssyncadd.remote.s32 $0x1  }
0xbe: {  	_ =	sfence.sel $0xFFFF  }
0xbf: {  	[dreg:$0x0] =	wrdreg $0xFFFFFFFF;
	(pc) =	sbr.abs _section_cstart, $3  }
0xc0: {  	[dreg:$0x1] =	wrdreg $0xFFFFFFFF  }
0xc1: {  	_ =	task.clear_ibuf [dreg:s6], $0x2FFFF;
	_ =	strace $0x9FFFFFFF  }
0xc2: {  	(tm) =	ssettm $0x7FFFFFFF  }
0xc3: {  	_ =	shalt  }
tec
execute0_lowered:
.L_overlay_start_1:
0x0: {  	(tag) =	ssettag $0x1  }
0x1: {  	v0 =	vlaneseq.u32  }
0x2: {  	v1 =	vmul.u32 $0x13, v0;
	_ =	sdelay $0x1  }
0x3: {  	v5 =	vadd.s32 $0x1, v1  }
0x4: {  	[tilespmem:$0x1FE10] =	vst v5;
	v5 =	vadd.s32 $0x13, v0  }
0x5: {  	[tilespmem:$0x1FE20] =	vst v5;
	v5 =	vadd.s32 $0x2, v1  }
0x6: {  	[tilespmem:$0x1FE30] =	vst v5;
	v5 =	vadd.s32 $0x26, v0  }
0x7: {  	[tilespmem:$0x1FE40] =	vst v5;
	v5 =	vadd.s32 $0x3, v1  }
0x8: {  	[tilespmem:$0x1FE50] =	vst v5;
	v5 =	vadd.s32 $0x39, v0  }
0x9: {  	[tilespmem:$0x1FE60] =	vst v5;
	v5 =	vadd.s32 $0x4, v1  }
0xa: {  	[tilespmem:$0x1FE70] =	vst v5;
	v5 =	vadd.s32 $0x4C, v0  }
0xb: {  	[tilespmem:$0x1FE80] =	vst v5;
	v5 =	vadd.s32 $0x5, v1  }
0xc: {  	[tilespmem:$0x1FE90] =	vst v5;
	v5 =	vadd.s32 $0x5F, v0  }
0xd: {  	[tilespmem:$0x1FEA0] =	vst v5;
	v5 =	vadd.s32 $0x6, v1  }
0xe: {  	[tilespmem:$0x1FEB0] =	vst v5;
	v5 =	vadd.s32 $0x72, v0  }
0xf: {  	[tilespmem:$0x1FEC0] =	vst v5;
	v5 =	vadd.s32 $0x7, v1  }
0x10: {  	[tilespmem:$0x1FED0] =	vst v5;
	v5 =	vadd.s32 $0x85, v0  }
0x11: {  	[tilespmem:$0x1FEE0] =	vst v5;
	v5 =	vadd.s32 $0x8, v1  }
0x12: {  	[tilespmem:$0x1FEF0] =	vst v5;
	v5 =	vadd.s32 $0x98, v0  }
0x13: {  	[tilespmem:$0x1FF00] =	vst v5;
	v5 =	vadd.s32 $0x9, v1  }
0x14: {  	[tilespmem:$0x1FF10] =	vst v5;
	v5 =	vadd.s32 $0xAB, v0  }
0x15: {  	v2 =	vimm.f32 $0.0e+00;
	[tilespmem:$0x1FF20] =	vst v5;
	v5 =	vadd.s32 $0xA, v1  }
0x16: {  	v4 =	vimm.f32 $1.000000000e+00;
	vm0 =	vcmask $0x300;
	[tilespmem:$0x1FF30] =	vst v5;
	v5 =	vadd.s32 $0xBE, v0  }
0x17: {  	v6 =	vimm.s32 $0x12121110;
	vm1 =	vcmask $0x704;
	[tilespmem:$0x1FF40] =	vst v5;
	v5 =	vadd.s32 $0xB, v1  }
0x18: {  	vm2 =	vcmask $0xF00;
	v7 =	vimm.s32 $0x158;
	[tilespmem:$0x1FF50] =	vst v5;
	v5 =	vadd.s32 $0xD1, v0  }
0x19: {  	v8 =	vimm.s32 $0x38383736;
	v9 =	vimm.s32 $0x15B;
	[tilespmem:$0x1FF60] =	vst v5;
	v5 =	vadd.s32 $0xC, v1  }
0x1a: {  	v19 =	vimm.s32 $0x168;
	v3 =	vmul.u32 $0x170, v0;
	[tilespmem:$0x1FF70] =	vst v5;
	v5 =	vimm.s32 $0x156  }
0x1b: {  	v6 =	vunpack.c.0.s8.s32 v6;
	v11 =	vadd.s32 $0x11D, v0;
	v5 =	vsel vm0, $0x130, v5  }
0x1c: {  	v13 =	vor.u32 $0x130, v0;
	v15 =	vadd.s32 $0x143, v0;
	v5 =	vsel vm1, $0x143, v5  }
0x1d: {  	v17 =	vadd.s32 $0x156, v0;
	v18 =	vmul.u32 $0x14, v0;
	[tilespmem:$0x1FF80] =	vst v5;
	v5 =	vimm.s32 $0x157  }
0x1e: {  	v6 =	vnsel vm2, $0x12, v6;
	v10 =	vadd.s32 $0xF, v1;
	v5 =	vsel vm0, $0x131, v5  }
0x1f: {  	v12 =	vadd.s32 $0x10, v1;
	[tilespmem:$0x1FF90] =	vst v6;
	v6 =	vimm.s32 $0x25252423;
	v5 =	vsel vm1, $0x144, v5  }
0x20: {  	v14 =	vadd.s32 $0x11, v1;
	v6 =	vunpack.c.0.s8.s32 v6;
	[tilespmem:$0x1FFA0] =	vst v5;
	v5 =	vsel vm0, $0x132, v7  }
0x21: {  	v7 =	vunpack.c.0.s8.s32 v8;
	v8 =	vimm.s32 $0x7171706F;
	v5 =	vsel vm1, $0x145, v5  }
0x22: {  	v6 =	vnsel vm2, $0x25, v6;
	v8 =	vunpack.c.0.s8.s32 v8;
	[tilespmem:$0x1FFC0] =	vst v5;
	v5 =	vimm.s32 $0x159  }
0x23: {  	[tilespmem:$0x1FFB0] =	vst v6;
	v6 =	vnsel vm2, $0x38, v7;
	v7 =	vimm.s32 $0x5E5E5D5C;
	v5 =	vsel vm0, $0x133, v5  }
0x24: {  	[tilespmem:$0x1FFD0] =	vst v6;
	v6 =	vimm.s32 $0x4B4B4A49;
	v7 =	vunpack.c.0.s8.s32 v7;
	v5 =	vsel vm1, $0x146, v5  }
0x25: {  	v16 =	vadd.s32 $0x12, v1;
	v39 =	vnsel vm2, $0x71, v8;
	[tilespmem:$0x1FFE0] =	vst v5;
	v5 =	vunpack.c.0.s8.s32 v6  }
0x26: {  	v6 =	vimm.s32 $0x15A;
	v37 =	vnsel vm2, $0x5E, v7;
	v7 =	vimm.s32 $0x15D  }
0x27: {  	v8 =	vadd.s32 $0xE, v1;
	v6 =	vsel vm0, $0x134, v6;
	v7 =	vsel vm0, $0x137, v7  }
0x28: {  	v5 =	vnsel vm2, $0x4B, v5;
	v36 =	vsel vm1, $0x147, v6;
	v6 =	vimm.s32 $0x84  }
0x29: {  	v42 =	vsel vm1, $0x14A, v7;
	v7 =	vimm.s32 $0xAA;
	[tilespmem:$0x1FFF0] =	vst v5;
	v5 =	vsel vm0, $0x135, v9  }
0x2a: {  	v6 =	vsel vm0, $0x82, v6;
	v7 =	vsel vm0, $0xA8, v7;
	v9 =	vadd.s32 $0x10A, v0  }
0x2b: {  	v38 =	vsel vm1, $0x148, v5;
	v5 =	vimm.s32 $0x15C;
	v41 =	vsel vm1, $0x83, v6  }
0x2c: {  	v6 =	vimm.s32 $0x15E;
	v45 =	vsel vm1, $0xA9, v7;
	v7 =	vimm.s32 $0x160  }
0x2d: {  	v5 =	vsel vm0, $0x136, v5;
	v6 =	vsel vm0, $0x138, v6;
	v7 =	vsel vm0, $0x13A, v7  }
0x2e: {  	v40 =	vsel vm1, $0x149, v5;
	v5 =	vimm.s32 $0x97;
	v44 =	vsel vm1, $0x14B, v6  }
0x2f: {  	v6 =	vimm.s32 $0xBD;
	v48 =	vsel vm1, $0x14D, v7;
	v7 =	vimm.s32 $0xE3  }
0x30: {  	v5 =	vsel vm0, $0x95, v5;
	v6 =	vsel vm0, $0xBB, v6;
	v7 =	vsel vm0, $0xE1, v7  }
0x31: {  	v43 =	vsel vm1, $0x96, v5;
	v5 =	vimm.s32 $0x15F;
	v47 =	vsel vm1, $0xBC, v6  }
0x32: {  	v6 =	vimm.s32 $0x161;
	v51 =	vsel vm1, $0xE2, v7;
	v7 =	vimm.s32 $0x163  }
0x33: {  	s3 =	rddreg [dreg:$0x0];
	v5 =	vsel vm0, $0x139, v5;
	v6 =	vsel vm0, $0x13B, v6;
	v7 =	vsel vm0, $0x13D, v7  }
0x34: {  	s7 =	rddreg [dreg:$0x1];
	v46 =	vsel vm1, $0x14C, v5;
	v5 =	vimm.s32 $0xD0;
	v50 =	vsel vm1, $0x14E, v6  }
0x35: {  	s2 =	srdreg.scid;
	s0 =	rddreg [dreg:$0x2];
	v6 =	vimm.s32 $0xF6;
	v54 =	vsel vm1, $0x150, v7;
	v7 =	vimm.s32 $0x11C  }
0x36: {  	s1 =	stileid.u32;
	s12 =	simm.s32 $0x8000;
	s13 =	simm.s32 $0x2;
	v5 =	vsel vm0, $0xCE, v5;
	v6 =	vsel vm0, $0xF4, v6;
	v7 =	vsel vm0, $0x11A, v7  }
0x37: {  	s15 =	simm.s32 $0x3;
	s16 =	simm.s32 $0x9880;
	s17 =	simm.s32 $0x9E80;
	v49 =	vsel vm1, $0xCF, v5;
	v5 =	vimm.s32 $0x162;
	v53 =	vsel vm1, $0xF5, v6  }
0x38: {  	s18 =	simm.s32 $0x0;
	s8 =	sand.u32 $0x1, s2;
	s2 =	simm.s32 $0x0;
	v6 =	vimm.s32 $0x164;
	v57 =	vsel vm1, $0x11B, v7;
	v7 =	vimm.s32 $0x166  }
0x39: {  	s5 =	sshll.u32 s1, $0xD;
	s9 =	sadd.s32 s1, s3;
	s11 =	smul.u32 $0x5C0, s1;
	v5 =	vsel vm0, $0x13C, v5;
	v6 =	vsel vm0, $0x13E, v6;
	v7 =	vsel vm0, $0x140, v7  }
0x3a: {  	s14 =	sand.u32 $0x3, s1;
	s4 =	sshll.u32 s8, $0x11;
	[smem:$0x7FF] =	sst s2;
	v52 =	vsel vm1, $0x14F, v5;
	v5 =	vimm.s32 $0x109;
	v56 =	vsel vm1, $0x151, v6  }
0x3b: {  	s30 =	ssub.s32 $0x2, s8;
	s8 =	sshll.u32 s8, $0x4;
	p0 =	sne.s32 s14, $0x0;
	v6 =	vimm.s32 $0x12F;
	v60 =	vsel vm1, $0x153, v7;
	v7 =	vimm.s32 $0x155  }
0x3c: {  	s14 =	simm.s32 $0x9700;
	s4 =	sor.u32 s5, s4;
	s31 =	sshrl.u32 s30, $0x1;
	v5 =	vsel vm0, $0x107, v5;
	v6 =	vsel vm0, $0x12D, v6;
	v7 =	vsel vm0, $0x153, v7  }
.Ltmp0:
0x3d: {  	s11 =	sshrl.u32 s11, $0x2;
	s8 =	sadd.s32 s8, s9;
	v55 =	vsel vm1, $0x108, v5;
	v5 =	vimm.s32 $0x165;
	v59 =	vsel vm1, $0x12E, v6;
	(pc) =	sbr.rel .LBB2_1-.Ltmp0, $4  }
0x3e: {  	s6 =	sadd.s32 s4, s3;
	s10 =	ssub.s32 s30, s31;
	s7 =	sadd.s32 s11, s7;
	v6 =	vimm.s32 $0x167;
	v63 =	vsel vm1, $0x154, v7;
	v5 =	vsel vm0, $0x13F, v5  }
0x3f: {  	s8 =	sadd.s32 $0x40800, s8;
	s11 =	simm.s32 $0x1;
	s3 =	sadd.s32 $0x800, s6;
	v6 =	vsel vm0, $0x141, v6;
	v58 =	vsel vm1, $0x152, v5;
	v5 =	vimm.s32 $0x142  }
0x40: {  	s4 =	sadd.s32 $0x1000, s6;
	s5 =	sadd.s32 $0x1800, s6;
	s6 =	sadd.s32 $0x2000, s6;
	v7 =	vadd.s32 $0xF7, v0;
	v62 =	vsel vm1, $0x154, v6;
	v5 =	vsel vm0, $0x140, v5  }
0x41: {  	s9 =	smax.u32 s10, $0x1;
	s10 =	simm.s32 $0x4000;
	_ =	strace $0x80000047;
	v6 =	vadd.s32 $0xD, v1;
	v61 =	vsel vm1, $0x141, v5;
	v5 =	vadd.s32 $0xE4, v0  }
.LBB2_16:
0x42: {  	v24 =	vld [tilespmem:s20+$0x9CD0]  }
0x43: {  	v27 =	vld [tilespmem:$0x1FE10]  }
0x44: {  	v28 =	vld [tilespmem:$0x1FE20]  }
0x45: {  	v29 =	vld [tilespmem:$0x1FE30]  }
0x46: {  	v20 =	vadd.f32 v22, v20;
	v25 =	vld [tilespmem:$0x1FE40]  }
0x47: {  	v26 =	vld [tilespmem:$0x1FE50]  }
0x48: {  	v30 =	vld [tilespmem:$0x1FE70];
	v20 =	vadd.f32 v21, v20  }
0x49: {  	v31 =	vld [tilespmem:$0x1FE80]  }
0x4a: {  	v32 =	vld [tilespmem:$0x1FE90];
	v20 =	vadd.f32 v24, v20  }
0x4b: {  	[tilespmem:s19+$0x9700] =	vst v23;
	v33 =	vld [tilespmem:$0x1FEA0]  }
0x4c: {  	v34 =	vld [tilespmem:$0x1FEB0];
	[tilespmem:s20+$0x9700] =	vst v20  }
0x4d: {  	v20 =	vld.idx.msk [tilespmem:v1+s14+$0x0], $0xffff  }
0x4e: {  	v35 =	vld.idx.msk [tilespmem:v0+s14+$0x0], $0xffff  }
0x4f: {  	v22 =	vld.idx.msk [tilespmem:v27+s14+$0x0], $0xffff  }
0x50: {  	v23 =	vld.idx.msk [tilespmem:v28+s14+$0x0], $0xffff  }
0x51: {  	v24 =	vld.idx.msk [tilespmem:v29+s14+$0x0], $0xffff  }
0x52: {  	v25 =	vld.idx.msk [tilespmem:v25+s14+$0x0], $0xffff  }
0x53: {  	v26 =	vld.idx.msk [tilespmem:v26+s14+$0x0], $0xffff  }
0x54: {  	v27 =	vld [tilespmem:$0x1FE60]  }
0x55: {  	v20 =	vadd.f32 v22, v20;
	v22 =	vld.idx.msk [tilespmem:v30+s14+$0x0], $0xffff  }
0x56: {  	v21 =	vadd.f32 v23, v35;
	v23 =	vld.idx.msk [tilespmem:v31+s14+$0x0], $0xffff  }
0x57: {  	v35 =	vld [tilespmem:$0x1FEC0]  }
0x58: {  	v30 =	vld [tilespmem:$0x1FED0]  }
0x59: {  	v31 =	vld [tilespmem:$0x1FEE0]  }
0x5a: {  	v20 =	vadd.f32 v24, v20;
	v24 =	vld.idx.msk [tilespmem:v32+s14+$0x0], $0xffff  }
0x5b: {  	v21 =	vadd.f32 v25, v21;
	v25 =	vld.idx.msk [tilespmem:v33+s14+$0x0], $0xffff  }
0x5c: {  	v27 =	vld.idx.msk [tilespmem:v27+s14+$0x0], $0xffff  }
0x5d: {  	v32 =	vld [tilespmem:$0x1FEF0]  }
0x5e: {  	v33 =	vld [tilespmem:$0x1FF00]  }
0x5f: {  	v20 =	vadd.f32 v26, v20;
	v26 =	vld.idx.msk [tilespmem:v34+s14+$0x0], $0xffff  }
0x60: {  	v34 =	vld [tilespmem:$0x1FF10]  }
0x61: {  	v21 =	vadd.f32 v27, v21;
	v27 =	vld.idx.msk [tilespmem:v35+s14+$0x0], $0xffff  }
0x62: {  	v20 =	vadd.f32 v22, v20;
	v22 =	vld.idx.msk [tilespmem:v30+s14+$0x0], $0xffff  }
0x63: {  	v35 =	vld [tilespmem:$0x1FF20]  }
0x64: {  	v30 =	vld [tilespmem:$0x1FF30]  }
0x65: {  	v21 =	vadd.f32 v23, v21;
	v23 =	vld.idx.msk [tilespmem:v31+s14+$0x0], $0xffff  }
0x66: {  	v20 =	vadd.f32 v24, v20;
	v24 =	vld.idx.msk [tilespmem:v32+s14+$0x0], $0xffff  }
0x67: {  	v31 =	vld [tilespmem:$0x1FF40]  }
0x68: {  	v32 =	vld [tilespmem:$0x1FF50]  }
0x69: {  	v21 =	vadd.f32 v25, v21;
	v25 =	vld.idx.msk [tilespmem:v33+s14+$0x0], $0xffff  }
0x6a: {  	v33 =	vld [tilespmem:$0x1FF60]  }
0x6b: {  	v20 =	vadd.f32 v26, v20;
	v26 =	vld.idx.msk [tilespmem:v34+s14+$0x0], $0xffff  }
0x6c: {  	v34 =	vld [tilespmem:$0x1FF70]  }
0x6d: {  	v21 =	vadd.f32 v27, v21  }
0x6e: {  	v27 =	vld.idx.msk [tilespmem:v35+s14+$0x0], $0xffff  }
0x6f: {  	v20 =	vadd.f32 v22, v20;
	v21 =	vadd.f32 v23, v21;
	v22 =	vld.idx.msk [tilespmem:v30+s14+$0x0], $0xffff  }
0x70: {  	v23 =	vld.idx.msk [tilespmem:v31+s14+$0x0], $0xffff  }
0x71: {  	v20 =	vadd.f32 v24, v20;
	v21 =	vadd.f32 v25, v21;
	v24 =	vld.idx.msk [tilespmem:v32+s14+$0x0], $0xffff  }
0x72: {  	v25 =	vld.idx.msk [tilespmem:v33+s14+$0x0], $0xffff  }
0x73: {  	v35 =	vld.idx.msk [tilespmem:v5+s14+$0x0], $0xffff;
	v20 =	vadd.f32 v26, v20;
	v21 =	vadd.f32 v27, v21  }
0x74: {  	v26 =	vld.idx.msk [tilespmem:v34+s14+$0x0], $0xffff  }
0x75: {  	v30 =	vld.idx.msk [tilespmem:v6+s14+$0x0], $0xffff;
	v20 =	vadd.f32 v22, v20;
	v21 =	vadd.f32 v23, v21  }
0x76: {  	v31 =	vld.idx.msk [tilespmem:v7+s14+$0x0], $0xffff  }
0x77: {  	v32 =	vld.idx.msk [tilespmem:v8+s14+$0x0], $0xffff;
	v20 =	vadd.f32 v24, v20;
	v21 =	vadd.f32 v25, v21  }
0x78: {  	v33 =	vld.idx.msk [tilespmem:v9+s14+$0x0], $0xffff  }
0x79: {  	v34 =	vld.idx.msk [tilespmem:v10+s14+$0x0], $0xffff;
	v20 =	vadd.f32 v26, v20;
	v21 =	vadd.f32 v35, v21  }
0x7a: {  	v35 =	vld.idx.msk [tilespmem:v11+s14+$0x0], $0xffff  }
0x7b: {  	v20 =	vadd.f32 v30, v20;
	v30 =	vld.idx.msk [tilespmem:v12+s14+$0x0], $0xffff;
	v21 =	vadd.f32 v31, v21  }
0x7c: {  	v31 =	vld.idx.msk [tilespmem:v13+s14+$0x0], $0xffff  }
0x7d: {  	v20 =	vadd.f32 v32, v20;
	v32 =	vld.idx.msk [tilespmem:v14+s14+$0x0], $0xffff;
	v21 =	vadd.f32 v33, v21  }
0x7e: {  	v33 =	vld.idx.msk [tilespmem:v15+s14+$0x0], $0xffff  }
0x7f: {  	v20 =	vadd.f32 v34, v20;
	v34 =	vld.idx.msk [tilespmem:v16+s14+$0x0], $0xffff;
	v21 =	vadd.f32 v35, v21  }
0x80: {  	v35 =	vld.idx.msk [tilespmem:v17+s14+$0x0], $0xffff  }
0x81: {  	v20 =	vadd.f32 v30, v20;
	v21 =	vadd.f32 v31, v21;
	_ =	sdelay $0x1  }
0x82: {  	v20 =	vadd.f32 v32, v20;
	v21 =	vadd.f32 v33, v21  }
0x83: {  	v25 =	vld.idx.msk [tilespmem:v18+s14+$0x0], $0xffff  }
0x84: {  	v20 =	vadd.f32 v34, v20;
	v21 =	vadd.f32 v35, v21;
	_ =	sdelay $0x1  }
0x85: {  	v20 =	vadd.f32 v21, v20;
	_ =	sdelay $0x1  }
0x86: {  	v20 =	vsub.f32 v20, v25;
	_ =	sdelay $0x1  }
0x87: {  	v20 =	vmax.f32 v20, $1.000000000e+00  }
0x88: {  	(erf) = vrcp.f32 v20;
	_ =	sdelay $0x8  }
0x89: {  	v28 =	vld [tilespmem:$0x1FF90];
	v20 =	vpop (erf)  }
0x8a: {  	v29 =	vld [tilespmem:$0x1FFA0];
	v20 =	vmul.f32 v20, v25  }
0x8b: {  	v30 =	vld [tilespmem:$0x1FFB0]  }
0x8c: {  	[tilespmem:$0x9E80] =	vst v20;
	v20 =	vld [tilespmem:$0x1FF80]  }
0x8d: {  	v32 =	vld [tilespmem:$0x1FFD0]  }
0x8e: {  	v31 =	vld [tilespmem:$0x1FFC0]  }
0x8f: {  	v34 =	vld [tilespmem:$0x1FFF0]  }
0x90: {  	v33 =	vld [tilespmem:$0x1FFE0]  }
0x91: {  	v21 =	vld.idx.msk [tilespmem:v28+s14+$0x0], $0xffff  }
0x92: {  	v22 =	vld.idx.msk [tilespmem:v29+s14+$0x0], $0xffff  }
0x93: {  	v23 =	vld.idx.msk [tilespmem:v30+s14+$0x0], $0xffff  }
0x94: {  	v20 =	vld.idx.msk [tilespmem:v20+s14+$0x0], $0xffff  }
0x95: {  	v25 =	vld.idx.msk [tilespmem:v32+s14+$0x0], $0xffff  }
0x96: {  	v24 =	vld.idx.msk [tilespmem:v31+s14+$0x0], $0xffff  }
0x97: {  	v27 =	vld.idx.msk [tilespmem:v34+s14+$0x0], $0xffff  }
0x98: {  	v26 =	vld.idx.msk [tilespmem:v33+s14+$0x0], $0xffff;
	v21 =	vadd.f32 v23, v21  }
0x99: {  	v30 =	vld.idx.msk [tilespmem:v37+s14+$0x0], $0xffff;
	v20 =	vadd.f32 v22, v20  }
0x9a: {  	v35 =	vld.idx.msk [tilespmem:v36+s14+$0x0], $0xffff;
	v21 =	vadd.f32 v25, v21  }
0x9b: {  	v32 =	vld.idx.msk [tilespmem:v39+s14+$0x0], $0xffff;
	v20 =	vadd.f32 v24, v20  }
0x9c: {  	v31 =	vld.idx.msk [tilespmem:v38+s14+$0x0], $0xffff;
	v21 =	vadd.f32 v27, v21  }
0x9d: {  	v34 =	vld.idx.msk [tilespmem:v41+s14+$0x0], $0xffff;
	v20 =	vadd.f32 v26, v20  }
0x9e: {  	v33 =	vld.idx.msk [tilespmem:v40+s14+$0x0], $0xffff;
	v21 =	vadd.f32 v30, v21  }
0x9f: {  	v30 =	vld.idx.msk [tilespmem:v43+s14+$0x0], $0xffff;
	v20 =	vadd.f32 v35, v20  }
0xa0: {  	v21 =	vadd.f32 v32, v21;
	v35 =	vld.idx.msk [tilespmem:v42+s14+$0x0], $0xffff  }
0xa1: {  	v32 =	vld.idx.msk [tilespmem:v45+s14+$0x0], $0xffff;
	v20 =	vadd.f32 v31, v20  }
0xa2: {  	v21 =	vadd.f32 v34, v21;
	v31 =	vld.idx.msk [tilespmem:v44+s14+$0x0], $0xffff  }
0xa3: {  	v34 =	vld.idx.msk [tilespmem:v47+s14+$0x0], $0xffff;
	v20 =	vadd.f32 v33, v20  }
0xa4: {  	v21 =	vadd.f32 v30, v21;
	v33 =	vld.idx.msk [tilespmem:v46+s14+$0x0], $0xffff  }
0xa5: {  	v30 =	vld.idx.msk [tilespmem:v49+s14+$0x0], $0xffff;
	v20 =	vadd.f32 v35, v20  }
0xa6: {  	v21 =	vadd.f32 v32, v21;
	v35 =	vld.idx.msk [tilespmem:v48+s14+$0x0], $0xffff  }
0xa7: {  	v32 =	vld.idx.msk [tilespmem:v51+s14+$0x0], $0xffff;
	v20 =	vadd.f32 v31, v20  }
0xa8: {  	v21 =	vadd.f32 v34, v21;
	v31 =	vld.idx.msk [tilespmem:v50+s14+$0x0], $0xffff  }
0xa9: {  	v34 =	vld.idx.msk [tilespmem:v53+s14+$0x0], $0xffff;
	v20 =	vadd.f32 v33, v20  }
0xaa: {  	v21 =	vadd.f32 v30, v21;
	v33 =	vld.idx.msk [tilespmem:v52+s14+$0x0], $0xffff  }
0xab: {  	v23 =	vld.idx.msk [tilespmem:v55+s14+$0x0], $0xffff;
	v20 =	vadd.f32 v35, v20  }
0xac: {  	v22 =	vld.idx.msk [tilespmem:v54+s14+$0x0], $0xffff;
	v21 =	vadd.f32 v32, v21  }
0xad: {  	v32 =	vld.idx.msk [tilespmem:v57+s14+$0x0], $0xffff;
	v20 =	vadd.f32 v31, v20  }
0xae: {  	v21 =	vadd.f32 v34, v21;
	v35 =	vld.idx.msk [tilespmem:v56+s14+$0x0], $0xffff  }
0xaf: {  	v28 =	vld.idx.msk [tilespmem:v59+s14+$0x0], $0xffff;
	v29 =	vsel vm0, $0x166, v19;
	v20 =	vadd.f32 v33, v20  }
0xb0: {  	v34 =	vsel vm0, $0x142, v19;
	v21 =	vadd.f32 v23, v21;
	v23 =	vsel vm1, $0x167, v29;
	v33 =	vld.idx.msk [tilespmem:v58+s14+$0x0], $0xffff  }
0xb1: {  	v27 =	vsel vm1, $0x155, v34;
	v29 =	vld.idx.msk [tilespmem:v61+s14+$0x0], $0xffff;
	v20 =	vadd.f32 v22, v20  }
0xb2: {  	v22 =	vld.idx.msk [tilespmem:v60+s14+$0x0], $0xffff  }
0xb3: {  	v24 =	vld.idx.msk [tilespmem:v62+s14+$0x0], $0xffff;
	v21 =	vadd.f32 v32, v21;
	v20 =	vadd.f32 v35, v20  }
0xb4: {  	v30 =	vsel vm0, $0x140, v19;
	v35 =	vld.idx.msk [tilespmem:v63+s14+$0x0], $0xffff  }
0xb5: {  	v34 =	vsel vm1, $0x154, v30;
	v21 =	vadd.f32 v28, v21;
	v23 =	vld.idx.msk [tilespmem:v23+s14+$0x0], $0xffff;
	v20 =	vadd.f32 v33, v20  }
0xb6: {  	v33 =	vld.idx.msk [tilespmem:v27+s14+$0x0], $0xffff  }
0xb7: {  	v21 =	vadd.f32 v29, v21;
	v20 =	vadd.f32 v22, v20;
	_ =	sdelay $0x1  }
0xb8: {  	v21 =	vadd.f32 v35, v21;
	v20 =	vadd.f32 v24, v20  }
0xb9: {  	v35 =	vld.idx.msk [tilespmem:v34+s14+$0x0], $0xffff  }
0xba: {  	v21 =	vadd.f32 v23, v21;
	v20 =	vadd.f32 v33, v20;
	_ =	sdelay $0x1  }
0xbb: {  	v20 =	vadd.f32 v21, v20;
	_ =	sdelay $0x1  }
0xbc: {  	v20 =	vsub.f32 v20, v35;
	_ =	sdelay $0x1  }
0xbd: {  	v20 =	vmax.f32 v20, $1.000000000e+00  }
0xbe: {  	(erf) = vrcp.f32 v20;
	_ =	sdelay $0x8  }
0xbf: {  	v20 =	vpop (erf)  }
0xc0: {  	v20 =	vmul.f32 v20, v35;
	_ =	sdelay $0x1  }
0xc1: {  	[tilespmem:$0x9E90] =	vst v20  }
0xc2: {  	[hbm4b:s8+s2] =	stream.linear.scatter [tilespmem:s17], [sflag:$0x3], $0x20, $0x38;
	[tilespmem:$0xA070] =	vst v63  }
0xc3: {  	_ =	swait.ge [sflag:s15], $0x20  }
0xc4: {  	[sflag:s15] =	ssyncset.done $0x0  }
0xc5: {  	[sflag:s15] =	ssyncadd.s32 $0xFFFFFFE0  }
.LBB2_17:
0xc6: {  	s18 =	sadd.s32 $0x1, s18  }
0xc7: {  	p1 =	sne.s32 s18, s9  }
.Ltmp1:
0xc8: {  	_ = 	snop;
	(pc) =	sbr.rel @!p1 .LBB2_18-.Ltmp1, $1  }
0xc9: {  	_ =	sdelay $0x3  }
.LBB2_1:
0xca: {  	[tilespmem:s2], [sflag:$0x1] =	stream.linear.gather [hbm4b:s3+s2], $0x4000, $0x38;
	[tilespmem:$0xA070] =	vst v63  }
0xcb: {  	s19 =	simm.s32 $0x8040  }
0xcc: {  	[tilespmem:s19+$0xFFFFFFC0] =	vst v2  }
0xcd: {  	[tilespmem:s19+$0x30] =	vst v2  }
0xce: {  	[tilespmem:s19+$0x20] =	vst v2  }
0xcf: {  	[tilespmem:s19+$0x10] =	vst v2  }
0xd0: {  	[tilespmem:s19+$0x0] =	vst v2  }
0xd1: {  	[tilespmem:s19+$0xFFFFFFF0] =	vst v2  }
0xd2: {  	s20 =	simm.s32 $0x0;
	[tilespmem:s19+$0xFFFFFFE0] =	vst v2  }
.LBB2_2:
0xd3: {  	s20 =	sadd.s32 $0x8, s20;
	[tilespmem:s19+$0xFFFFFFD0] =	vst v2;
	s19 =	sadd.s32 $0x80, s19  }
0xd4: {  	[tilespmem:s19+$0xFFFFFFC0] =	vst v2;
	p1 =	slt.u32 s20, $0x168  }
0xd5: {  	[tilespmem:s19+$0x30] =	vst v2  }
.Ltmp2:
0xd6: {  	[tilespmem:s19+$0x20] =	vst v2;
	(pc) =	sbr.rel @p1 .LBB2_2-.Ltmp2, $4  }
0xd7: {  	[tilespmem:s19+$0x10] =	vst v2  }
0xd8: {  	[tilespmem:s19+$0x0] =	vst v2  }
0xd9: {  	[tilespmem:s19+$0xFFFFFFF0] =	vst v2  }
0xda: {  	[tilespmem:s19+$0xFFFFFFE0] =	vst v2  }
0xdb: {  	[tilespmem:s19+$0xFFFFFFD0] =	vst v2;
	s30 =	simm.s32 $0x0  }
0xdc: {  	[tilespmem:s10], [sflag:$0x2] =	stream.linear.gather [hbm4b:s4+s30], $0x4000, $0x38;
	[tilespmem:$0xA070] =	vst v63  }
0xdd: {  	_ =	swait.ge [sflag:s11], $0x4000  }
0xde: {  	[sflag:s11] =	ssyncset.done $0x0  }
0xdf: {  	s31 =	simm.s32 $0x0;
	[sflag:s11] =	ssyncadd.s32 $0xFFFFC000  }
0xe0: {  	v20 =	vld [tilespmem:s31+$0x60]  }
0xe1: {  	v21 =	vld [tilespmem:s31+$0x50]  }
0xe2: {  	v22 =	vld [tilespmem:s31+$0x40]  }
0xe3: {  	v23 =	vld [tilespmem:s31+$0x30]  }
0xe4: {  	v24 =	vld [tilespmem:s31+$0x20]  }
0xe5: {  	v25 =	vld [tilespmem:s31+$0x10]  }
0xe6: {  	v26 =	vld [tilespmem:s31+$0x0]  }
0xe7: {  	v27 =	vld [tilespmem:s31+$0x70]  }
0xe8: {  	v28 =	vld [tilespmem:s31+$0x80]  }
0xe9: {  	v29 =	vld [tilespmem:s31+$0x90]  }
0xea: {  	v30 =	vld [tilespmem:s31+$0xA0]  }
0xeb: {  	v31 =	vld [tilespmem:s31+$0xB0];
	v26 =	vadd.s32 v3, v26  }
0xec: {  	v32 =	vld [tilespmem:s31+$0xC0];
	v25 =	vadd.s32 v3, v25  }
0xed: {  	v33 =	vld [tilespmem:s31+$0xD0];
	v24 =	vadd.s32 v3, v24  }
0xee: {  	v34 =	vld [tilespmem:s31+$0xE0];
	v23 =	vadd.s32 v3, v23  }
0xef: {  	v35 =	vld [tilespmem:s31+$0xF0];
	v22 =	vadd.s32 v3, v22  }
0xf0: {  	v21 =	vadd.s32 v3, v21;
	[tilespmem:v26+s12+$0x0] =	vst.idx.add.f32.msk $0xffff, v4  }
0xf1: {  	v20 =	vadd.s32 v3, v20;
	[tilespmem:v25+s12+$0x0] =	vst.idx.add.f32.msk $0xffff, v4  }
0xf2: {  	v25 =	vadd.s32 v3, v27;
	[tilespmem:v24+s12+$0x0] =	vst.idx.add.f32.msk $0xffff, v4  }
0xf3: {  	v28 =	vadd.s32 v3, v28;
	[tilespmem:v23+s12+$0x0] =	vst.idx.add.f32.msk $0xffff, v4  }
0xf4: {  	v23 =	vadd.s32 v3, v29;
	[tilespmem:v22+s12+$0x0] =	vst.idx.add.f32.msk $0xffff, v4  }
0xf5: {  	v22 =	vadd.s32 v3, v30;
	[tilespmem:v21+s12+$0x0] =	vst.idx.add.f32.msk $0xffff, v4  }
0xf6: {  	v21 =	vadd.s32 v3, v31;
	[tilespmem:v20+s12+$0x0] =	vst.idx.add.f32.msk $0xffff, v4  }
0xf7: {  	v20 =	vadd.s32 v3, v32;
	[tilespmem:v25+s12+$0x0] =	vst.idx.add.f32.msk $0xffff, v4  }
0xf8: {  	[tilespmem:v28+s12+$0x0] =	vst.idx.add.f32.msk $0xffff, v4  }
0xf9: {  	[tilespmem:v23+s12+$0x0] =	vst.idx.add.f32.msk $0xffff, v4  }
0xfa: {  	v33 =	vadd.s32 v3, v33;
	[tilespmem:v22+s12+$0x0] =	vst.idx.add.f32.msk $0xffff, v4  }
0xfb: {  	v34 =	vadd.s32 v3, v34;
	[tilespmem:v21+s12+$0x0] =	vst.idx.add.f32.msk $0xffff, v4  }
0xfc: {  	[tilespmem:v20+s12+$0x0] =	vst.idx.add.f32.msk $0xffff, v4;
	v20 =	vadd.s32 v3, v35;
	_ =	sdelay $0x2  }
0xfd: {  	[tilespmem:v33+s12+$0x0] =	vst.idx.add.f32.msk $0xffff, v4  }
0xfe: {  	s19 =	simm.s32 $0x400;
	[tilespmem:v34+s12+$0x0] =	vst.idx.add.f32.msk $0xffff, v4  }
.LBB2_4:
0xff: {  	s20 =	sshra.s32 s19, $0x2;
	p1 =	sne.s32 s19, $0xFC00;
	s19 =	sadd.s32 $0x400, s19;
	[tilespmem:v20+s12+$0x0] =	vst.idx.add.f32.msk $0xffff, v4  }
0x100: {  	v20 =	vld [tilespmem:s20+$0x60]  }
0x101: {  	v21 =	vld [tilespmem:s20+$0x50]  }
0x102: {  	v22 =	vld [tilespmem:s20+$0x40]  }
0x103: {  	v23 =	vld [tilespmem:s20+$0x30]  }
0x104: {  	v24 =	vld [tilespmem:s20+$0x20]  }
0x105: {  	v25 =	vld [tilespmem:s20+$0x10]  }
0x106: {  	v26 =	vld [tilespmem:s20+$0x0]  }
0x107: {  	v27 =	vld [tilespmem:s20+$0x70]  }
0x108: {  	v28 =	vld [tilespmem:s20+$0x80];
	v23 =	vadd.s32 v3, v23  }
0x109: {  	v22 =	vadd.s32 v3, v22;
	v29 =	vld [tilespmem:s20+$0x90]  }
0x10a: {  	v21 =	vadd.s32 v3, v21;
	v30 =	vld [tilespmem:s20+$0xA0]  }
0x10b: {  	v20 =	vadd.s32 v3, v20;
	v25 =	vadd.s32 v3, v25;
	v31 =	vld [tilespmem:s20+$0xB0];
	v26 =	vadd.s32 v3, v26  }
0x10c: {  	v24 =	vadd.s32 v3, v24;
	v32 =	vld [tilespmem:s20+$0xC0];
	v27 =	vadd.s32 v3, v27  }
0x10d: {  	v33 =	vld [tilespmem:s20+$0xD0];
	v28 =	vadd.s32 v3, v28  }
0x10e: {  	v34 =	vld [tilespmem:s20+$0xE0];
	v29 =	vadd.s32 v3, v29  }
0x10f: {  	v35 =	vld [tilespmem:s20+$0xF0]  }
0x110: {  	[tilespmem:v26+s12+$0x0] =	vst.idx.add.f32.msk $0xffff, v4  }
0x111: {  	v26 =	vadd.s32 v3, v30;
	[tilespmem:v25+s12+$0x0] =	vst.idx.add.f32.msk $0xffff, v4  }
0x112: {  	v25 =	vadd.s32 v3, v31;
	[tilespmem:v24+s12+$0x0] =	vst.idx.add.f32.msk $0xffff, v4  }
0x113: {  	[tilespmem:v23+s12+$0x0] =	vst.idx.add.f32.msk $0xffff, v4  }
0x114: {  	[tilespmem:v22+s12+$0x0] =	vst.idx.add.f32.msk $0xffff, v4  }
0x115: {  	v22 =	vadd.s32 v3, v32;
	[tilespmem:v21+s12+$0x0] =	vst.idx.add.f32.msk $0xffff, v4  }
0x116: {  	[tilespmem:v20+s12+$0x0] =	vst.idx.add.f32.msk $0xffff, v4  }
0x117: {  	v21 =	vadd.s32 v3, v33;
	[tilespmem:v27+s12+$0x0] =	vst.idx.add.f32.msk $0xffff, v4  }
0x118: {  	[tilespmem:v28+s12+$0x0] =	vst.idx.add.f32.msk $0xffff, v4  }
0x119: {  	v23 =	vadd.s32 v3, v34;
	[tilespmem:v29+s12+$0x0] =	vst.idx.add.f32.msk $0xffff, v4  }
.Ltmp3:
0x11a: {  	v20 =	vadd.s32 v3, v35;
	[tilespmem:v26+s12+$0x0] =	vst.idx.add.f32.msk $0xffff, v4;
	(pc) =	sbr.rel @p1 .LBB2_4-.Ltmp3, $4  }
0x11b: {  	[tilespmem:v25+s12+$0x0] =	vst.idx.add.f32.msk $0xffff, v4  }
0x11c: {  	[tilespmem:v22+s12+$0x0] =	vst.idx.add.f32.msk $0xffff, v4  }
0x11d: {  	[tilespmem:v21+s12+$0x0] =	vst.idx.add.f32.msk $0xffff, v4  }
0x11e: {  	[tilespmem:v23+s12+$0x0] =	vst.idx.add.f32.msk $0xffff, v4  }
0x11f: {  	_ =	sdelay $0x3  }
0x120: {  	[tilespmem:v20+s12+$0x0] =	vst.idx.add.f32.msk $0xffff, v4;
	s19 =	simm.s32 $0x0  }
0x121: {  	[tilespmem:s19], [sflag:$0x1] =	stream.linear.gather [hbm4b:s5+s19], $0x4000, $0x38;
	[tilespmem:$0xA070] =	vst v63  }
0x122: {  	_ =	swait.ge [sflag:s13], $0x4000  }
0x123: {  	[sflag:s13] =	ssyncset.done $0x0  }
0x124: {  	s31 =	simm.s32 $0x0;
	[sflag:s13] =	ssyncadd.s32 $0xFFFFC000  }
0x125: {  	v20 =	vld [tilespmem:s31+$0x4060]  }
0x126: {  	v21 =	vld [tilespmem:s31+$0x4050]  }
0x127: {  	v22 =	vld [tilespmem:s31+$0x4040]  }
0x128: {  	v23 =	vld [tilespmem:s31+$0x4030]  }
0x129: {  	v24 =	vld [tilespmem:s31+$0x4020]  }
0x12a: {  	v25 =	vld [tilespmem:s31+$0x4010]  }
0x12b: {  	v26 =	vld [tilespmem:s31+$0x4000]  }
0x12c: {  	v27 =	vld [tilespmem:s31+$0x4070]  }
0x12d: {  	v28 =	vld [tilespmem:s31+$0x4080]  }
0x12e: {  	v29 =	vld [tilespmem:s31+$0x4090]  }
0x12f: {  	v30 =	vld [tilespmem:s31+$0x40A0]  }
0x130: {  	v31 =	vld [tilespmem:s31+$0x40B0];
	v26 =	vadd.s32 v3, v26  }
0x131: {  	v32 =	vld [tilespmem:s31+$0x40C0];
	v25 =	vadd.s32 v3, v25  }
0x132: {  	v33 =	vld [tilespmem:s31+$0x40D0];
	v24 =	vadd.s32 v3, v24  }
0x133: {  	v34 =	vld [tilespmem:s31+$0x40E0];
	v23 =	vadd.s32 v3, v23  }
0x134: {  	v35 =	vld [tilespmem:s31+$0x40F0];
	v22 =	vadd.s32 v3, v22  }
0x135: {  	v21 =	vadd.s32 v3, v21;
	[tilespmem:v26+s12+$0x0] =	vst.idx.add.f32.msk $0xffff, v4  }
0x136: {  	v20 =	vadd.s32 v3, v20;
	[tilespmem:v25+s12+$0x0] =	vst.idx.add.f32.msk $0xffff, v4  }
0x137: {  	v25 =	vadd.s32 v3, v27;
	[tilespmem:v24+s12+$0x0] =	vst.idx.add.f32.msk $0xffff, v4  }
0x138: {  	v28 =	vadd.s32 v3, v28;
	[tilespmem:v23+s12+$0x0] =	vst.idx.add.f32.msk $0xffff, v4  }
0x139: {  	v23 =	vadd.s32 v3, v29;
	[tilespmem:v22+s12+$0x0] =	vst.idx.add.f32.msk $0xffff, v4  }
0x13a: {  	v22 =	vadd.s32 v3, v30;
	[tilespmem:v21+s12+$0x0] =	vst.idx.add.f32.msk $0xffff, v4  }
0x13b: {  	v21 =	vadd.s32 v3, v31;
	[tilespmem:v20+s12+$0x0] =	vst.idx.add.f32.msk $0xffff, v4  }
0x13c: {  	v20 =	vadd.s32 v3, v32;
	[tilespmem:v25+s12+$0x0] =	vst.idx.add.f32.msk $0xffff, v4  }
0x13d: {  	[tilespmem:v28+s12+$0x0] =	vst.idx.add.f32.msk $0xffff, v4  }
0x13e: {  	[tilespmem:v23+s12+$0x0] =	vst.idx.add.f32.msk $0xffff, v4  }
0x13f: {  	v33 =	vadd.s32 v3, v33;
	[tilespmem:v22+s12+$0x0] =	vst.idx.add.f32.msk $0xffff, v4  }
0x140: {  	v34 =	vadd.s32 v3, v34;
	[tilespmem:v21+s12+$0x0] =	vst.idx.add.f32.msk $0xffff, v4  }
0x141: {  	[tilespmem:v20+s12+$0x0] =	vst.idx.add.f32.msk $0xffff, v4;
	v20 =	vadd.s32 v3, v35;
	_ =	sdelay $0x2  }
0x142: {  	[tilespmem:v33+s12+$0x0] =	vst.idx.add.f32.msk $0xffff, v4  }
0x143: {  	s19 =	simm.s32 $0x400;
	[tilespmem:v34+s12+$0x0] =	vst.idx.add.f32.msk $0xffff, v4  }
.LBB2_6:
0x144: {  	s20 =	sshra.s32 s19, $0x2;
	p1 =	sne.s32 s19, $0xFC00;
	s19 =	sadd.s32 $0x400, s19;
	[tilespmem:v20+s12+$0x0] =	vst.idx.add.f32.msk $0xffff, v4  }
0x145: {  	v20 =	vld [tilespmem:s20+$0x4060]  }
0x146: {  	v21 =	vld [tilespmem:s20+$0x4050]  }
0x147: {  	v22 =	vld [tilespmem:s20+$0x4040]  }
0x148: {  	v23 =	vld [tilespmem:s20+$0x4030]  }
0x149: {  	v24 =	vld [tilespmem:s20+$0x4020]  }
0x14a: {  	v25 =	vld [tilespmem:s20+$0x4010]  }
0x14b: {  	v26 =	vld [tilespmem:s20+$0x4000]  }
0x14c: {  	v27 =	vld [tilespmem:s20+$0x4070]  }
0x14d: {  	v28 =	vld [tilespmem:s20+$0x4080];
	v23 =	vadd.s32 v3, v23  }
0x14e: {  	v22 =	vadd.s32 v3, v22;
	v29 =	vld [tilespmem:s20+$0x4090]  }
0x14f: {  	v21 =	vadd.s32 v3, v21;
	v30 =	vld [tilespmem:s20+$0x40A0]  }
0x150: {  	v20 =	vadd.s32 v3, v20;
	v25 =	vadd.s32 v3, v25;
	v31 =	vld [tilespmem:s20+$0x40B0];
	v26 =	vadd.s32 v3, v26  }
0x151: {  	v24 =	vadd.s32 v3, v24;
	v32 =	vld [tilespmem:s20+$0x40C0];
	v27 =	vadd.s32 v3, v27  }
0x152: {  	v33 =	vld [tilespmem:s20+$0x40D0];
	v28 =	vadd.s32 v3, v28  }
0x153: {  	v34 =	vld [tilespmem:s20+$0x40E0];
	v29 =	vadd.s32 v3, v29  }
0x154: {  	v35 =	vld [tilespmem:s20+$0x40F0]  }
0x155: {  	[tilespmem:v26+s12+$0x0] =	vst.idx.add.f32.msk $0xffff, v4  }
0x156: {  	v26 =	vadd.s32 v3, v30;
	[tilespmem:v25+s12+$0x0] =	vst.idx.add.f32.msk $0xffff, v4  }
0x157: {  	v25 =	vadd.s32 v3, v31;
	[tilespmem:v24+s12+$0x0] =	vst.idx.add.f32.msk $0xffff, v4  }
0x158: {  	[tilespmem:v23+s12+$0x0] =	vst.idx.add.f32.msk $0xffff, v4  }
0x159: {  	[tilespmem:v22+s12+$0x0] =	vst.idx.add.f32.msk $0xffff, v4  }
0x15a: {  	v22 =	vadd.s32 v3, v32;
	[tilespmem:v21+s12+$0x0] =	vst.idx.add.f32.msk $0xffff, v4  }
0x15b: {  	[tilespmem:v20+s12+$0x0] =	vst.idx.add.f32.msk $0xffff, v4  }
0x15c: {  	v21 =	vadd.s32 v3, v33;
	[tilespmem:v27+s12+$0x0] =	vst.idx.add.f32.msk $0xffff, v4  }
0x15d: {  	[tilespmem:v28+s12+$0x0] =	vst.idx.add.f32.msk $0xffff, v4  }
0x15e: {  	v23 =	vadd.s32 v3, v34;
	[tilespmem:v29+s12+$0x0] =	vst.idx.add.f32.msk $0xffff, v4  }
.Ltmp4:
0x15f: {  	v20 =	vadd.s32 v3, v35;
	[tilespmem:v26+s12+$0x0] =	vst.idx.add.f32.msk $0xffff, v4;
	(pc) =	sbr.rel @p1 .LBB2_6-.Ltmp4, $4  }
0x160: {  	[tilespmem:v25+s12+$0x0] =	vst.idx.add.f32.msk $0xffff, v4  }
0x161: {  	[tilespmem:v22+s12+$0x0] =	vst.idx.add.f32.msk $0xffff, v4  }
0x162: {  	[tilespmem:v21+s12+$0x0] =	vst.idx.add.f32.msk $0xffff, v4  }
0x163: {  	[tilespmem:v23+s12+$0x0] =	vst.idx.add.f32.msk $0xffff, v4  }
0x164: {  	_ =	sdelay $0x3  }
0x165: {  	[tilespmem:v20+s12+$0x0] =	vst.idx.add.f32.msk $0xffff, v4;
	s19 =	simm.s32 $0x0  }
0x166: {  	[tilespmem:s10], [sflag:$0x2] =	stream.linear.gather [hbm4b:s6+s19], $0x4000, $0x38;
	[tilespmem:$0xA070] =	vst v63  }
0x167: {  	_ =	swait.ge [sflag:s11], $0x4000  }
0x168: {  	[sflag:s11] =	ssyncset.done $0x0  }
0x169: {  	s31 =	simm.s32 $0x0;
	[sflag:s11] =	ssyncadd.s32 $0xFFFFC000  }
0x16a: {  	v20 =	vld [tilespmem:s31+$0x60]  }
0x16b: {  	v21 =	vld [tilespmem:s31+$0x50]  }
0x16c: {  	v22 =	vld [tilespmem:s31+$0x40]  }
0x16d: {  	v23 =	vld [tilespmem:s31+$0x30]  }
0x16e: {  	v24 =	vld [tilespmem:s31+$0x20]  }
0x16f: {  	v25 =	vld [tilespmem:s31+$0x10]  }
0x170: {  	v26 =	vld [tilespmem:s31+$0x0]  }
0x171: {  	v27 =	vld [tilespmem:s31+$0x70]  }
0x172: {  	v28 =	vld [tilespmem:s31+$0x80]  }
0x173: {  	v29 =	vld [tilespmem:s31+$0x90]  }
0x174: {  	v30 =	vld [tilespmem:s31+$0xA0]  }
0x175: {  	v31 =	vld [tilespmem:s31+$0xB0];
	v26 =	vadd.s32 v3, v26  }
0x176: {  	v32 =	vld [tilespmem:s31+$0xC0];
	v25 =	vadd.s32 v3, v25  }
0x177: {  	v33 =	vld [tilespmem:s31+$0xD0];
	v24 =	vadd.s32 v3, v24  }
0x178: {  	v34 =	vld [tilespmem:s31+$0xE0];
	v23 =	vadd.s32 v3, v23  }
0x179: {  	v35 =	vld [tilespmem:s31+$0xF0];
	v22 =	vadd.s32 v3, v22  }
0x17a: {  	v21 =	vadd.s32 v3, v21;
	[tilespmem:v26+s12+$0x0] =	vst.idx.add.f32.msk $0xffff, v4  }
0x17b: {  	v20 =	vadd.s32 v3, v20;
	[tilespmem:v25+s12+$0x0] =	vst.idx.add.f32.msk $0xffff, v4  }
0x17c: {  	v25 =	vadd.s32 v3, v27;
	[tilespmem:v24+s12+$0x0] =	vst.idx.add.f32.msk $0xffff, v4  }
0x17d: {  	v28 =	vadd.s32 v3, v28;
	[tilespmem:v23+s12+$0x0] =	vst.idx.add.f32.msk $0xffff, v4  }
0x17e: {  	v23 =	vadd.s32 v3, v29;
	[tilespmem:v22+s12+$0x0] =	vst.idx.add.f32.msk $0xffff, v4  }
0x17f: {  	v22 =	vadd.s32 v3, v30;
	[tilespmem:v21+s12+$0x0] =	vst.idx.add.f32.msk $0xffff, v4  }
0x180: {  	v21 =	vadd.s32 v3, v31;
	[tilespmem:v20+s12+$0x0] =	vst.idx.add.f32.msk $0xffff, v4  }
0x181: {  	v20 =	vadd.s32 v3, v32;
	[tilespmem:v25+s12+$0x0] =	vst.idx.add.f32.msk $0xffff, v4  }
0x182: {  	[tilespmem:v28+s12+$0x0] =	vst.idx.add.f32.msk $0xffff, v4  }
0x183: {  	[tilespmem:v23+s12+$0x0] =	vst.idx.add.f32.msk $0xffff, v4  }
0x184: {  	v33 =	vadd.s32 v3, v33;
	[tilespmem:v22+s12+$0x0] =	vst.idx.add.f32.msk $0xffff, v4  }
0x185: {  	v34 =	vadd.s32 v3, v34;
	[tilespmem:v21+s12+$0x0] =	vst.idx.add.f32.msk $0xffff, v4  }
0x186: {  	[tilespmem:v20+s12+$0x0] =	vst.idx.add.f32.msk $0xffff, v4;
	v20 =	vadd.s32 v3, v35;
	_ =	sdelay $0x2  }
0x187: {  	[tilespmem:v33+s12+$0x0] =	vst.idx.add.f32.msk $0xffff, v4  }
0x188: {  	s19 =	simm.s32 $0x400;
	[tilespmem:v34+s12+$0x0] =	vst.idx.add.f32.msk $0xffff, v4  }
.LBB2_8:
0x189: {  	s20 =	sshra.s32 s19, $0x2;
	p1 =	sne.s32 s19, $0xFC00;
	s19 =	sadd.s32 $0x400, s19;
	[tilespmem:v20+s12+$0x0] =	vst.idx.add.f32.msk $0xffff, v4  }
0x18a: {  	v20 =	vld [tilespmem:s20+$0x60]  }
0x18b: {  	v21 =	vld [tilespmem:s20+$0x50]  }
0x18c: {  	v22 =	vld [tilespmem:s20+$0x40]  }
0x18d: {  	v23 =	vld [tilespmem:s20+$0x30]  }
0x18e: {  	v24 =	vld [tilespmem:s20+$0x20]  }
0x18f: {  	v25 =	vld [tilespmem:s20+$0x10]  }
0x190: {  	v26 =	vld [tilespmem:s20+$0x0]  }
0x191: {  	v27 =	vld [tilespmem:s20+$0x70]  }
0x192: {  	v28 =	vld [tilespmem:s20+$0x80];
	v23 =	vadd.s32 v3, v23  }
0x193: {  	v22 =	vadd.s32 v3, v22;
	v29 =	vld [tilespmem:s20+$0x90]  }
0x194: {  	v21 =	vadd.s32 v3, v21;
	v30 =	vld [tilespmem:s20+$0xA0]  }
0x195: {  	v20 =	vadd.s32 v3, v20;
	v25 =	vadd.s32 v3, v25;
	v31 =	vld [tilespmem:s20+$0xB0];
	v26 =	vadd.s32 v3, v26  }
0x196: {  	v24 =	vadd.s32 v3, v24;
	v32 =	vld [tilespmem:s20+$0xC0];
	v27 =	vadd.s32 v3, v27  }
0x197: {  	v33 =	vld [tilespmem:s20+$0xD0];
	v28 =	vadd.s32 v3, v28  }
0x198: {  	v34 =	vld [tilespmem:s20+$0xE0];
	v29 =	vadd.s32 v3, v29  }
0x199: {  	v35 =	vld [tilespmem:s20+$0xF0]  }
0x19a: {  	[tilespmem:v26+s12+$0x0] =	vst.idx.add.f32.msk $0xffff, v4  }
0x19b: {  	v26 =	vadd.s32 v3, v30;
	[tilespmem:v25+s12+$0x0] =	vst.idx.add.f32.msk $0xffff, v4  }
0x19c: {  	v25 =	vadd.s32 v3, v31;
	[tilespmem:v24+s12+$0x0] =	vst.idx.add.f32.msk $0xffff, v4  }
0x19d: {  	[tilespmem:v23+s12+$0x0] =	vst.idx.add.f32.msk $0xffff, v4  }
0x19e: {  	[tilespmem:v22+s12+$0x0] =	vst.idx.add.f32.msk $0xffff, v4  }
0x19f: {  	v22 =	vadd.s32 v3, v32;
	[tilespmem:v21+s12+$0x0] =	vst.idx.add.f32.msk $0xffff, v4  }
0x1a0: {  	[tilespmem:v20+s12+$0x0] =	vst.idx.add.f32.msk $0xffff, v4  }
0x1a1: {  	v21 =	vadd.s32 v3, v33;
	[tilespmem:v27+s12+$0x0] =	vst.idx.add.f32.msk $0xffff, v4  }
0x1a2: {  	[tilespmem:v28+s12+$0x0] =	vst.idx.add.f32.msk $0xffff, v4  }
0x1a3: {  	v23 =	vadd.s32 v3, v34;
	[tilespmem:v29+s12+$0x0] =	vst.idx.add.f32.msk $0xffff, v4  }
.Ltmp5:
0x1a4: {  	v20 =	vadd.s32 v3, v35;
	[tilespmem:v26+s12+$0x0] =	vst.idx.add.f32.msk $0xffff, v4;
	(pc) =	sbr.rel @p1 .LBB2_8-.Ltmp5, $4  }
0x1a5: {  	[tilespmem:v25+s12+$0x0] =	vst.idx.add.f32.msk $0xffff, v4  }
0x1a6: {  	[tilespmem:v22+s12+$0x0] =	vst.idx.add.f32.msk $0xffff, v4  }
0x1a7: {  	[tilespmem:v21+s12+$0x0] =	vst.idx.add.f32.msk $0xffff, v4  }
0x1a8: {  	[tilespmem:v23+s12+$0x0] =	vst.idx.add.f32.msk $0xffff, v4  }
0x1a9: {  	_ =	sdelay $0x3  }
0x1aa: {  	[tilespmem:v20+s12+$0x0] =	vst.idx.add.f32.msk $0xffff, v4  }
0x1ab: {  	_ =	swait.ge [sflag:s13], $0x4000  }
0x1ac: {  	[sflag:s13] =	ssyncset.done $0x0  }
0x1ad: {  	s19 =	simm.s32 $0x0;
	[sflag:s13] =	ssyncadd.s32 $0xFFFFC000  }
0x1ae: {  	v20 =	vld [tilespmem:s19+$0x4060]  }
0x1af: {  	v21 =	vld [tilespmem:s19+$0x4050]  }
0x1b0: {  	v22 =	vld [tilespmem:s19+$0x4040]  }
0x1b1: {  	v23 =	vld [tilespmem:s19+$0x4030]  }
0x1b2: {  	v24 =	vld [tilespmem:s19+$0x4020]  }
0x1b3: {  	v25 =	vld [tilespmem:s19+$0x4010]  }
0x1b4: {  	v26 =	vld [tilespmem:s19+$0x4000]  }
0x1b5: {  	v27 =	vld [tilespmem:s19+$0x4070]  }
0x1b6: {  	v28 =	vld [tilespmem:s19+$0x4080]  }
0x1b7: {  	v29 =	vld [tilespmem:s19+$0x4090]  }
0x1b8: {  	v30 =	vld [tilespmem:s19+$0x40A0]  }
0x1b9: {  	v31 =	vld [tilespmem:s19+$0x40B0];
	v26 =	vadd.s32 v3, v26  }
0x1ba: {  	v32 =	vld [tilespmem:s19+$0x40C0];
	v25 =	vadd.s32 v3, v25  }
0x1bb: {  	v33 =	vld [tilespmem:s19+$0x40D0];
	v24 =	vadd.s32 v3, v24  }
0x1bc: {  	v34 =	vld [tilespmem:s19+$0x40E0];
	v23 =	vadd.s32 v3, v23  }
0x1bd: {  	v35 =	vld [tilespmem:s19+$0x40F0];
	v22 =	vadd.s32 v3, v22  }
0x1be: {  	v21 =	vadd.s32 v3, v21;
	[tilespmem:v26+s12+$0x0] =	vst.idx.add.f32.msk $0xffff, v4  }
0x1bf: {  	v20 =	vadd.s32 v3, v20;
	[tilespmem:v25+s12+$0x0] =	vst.idx.add.f32.msk $0xffff, v4  }
0x1c0: {  	v25 =	vadd.s32 v3, v27;
	[tilespmem:v24+s12+$0x0] =	vst.idx.add.f32.msk $0xffff, v4  }
0x1c1: {  	v28 =	vadd.s32 v3, v28;
	[tilespmem:v23+s12+$0x0] =	vst.idx.add.f32.msk $0xffff, v4  }
0x1c2: {  	v23 =	vadd.s32 v3, v29;
	[tilespmem:v22+s12+$0x0] =	vst.idx.add.f32.msk $0xffff, v4  }
0x1c3: {  	v22 =	vadd.s32 v3, v30;
	[tilespmem:v21+s12+$0x0] =	vst.idx.add.f32.msk $0xffff, v4  }
0x1c4: {  	v21 =	vadd.s32 v3, v31;
	[tilespmem:v20+s12+$0x0] =	vst.idx.add.f32.msk $0xffff, v4  }
0x1c5: {  	v20 =	vadd.s32 v3, v32;
	[tilespmem:v25+s12+$0x0] =	vst.idx.add.f32.msk $0xffff, v4  }
0x1c6: {  	[tilespmem:v28+s12+$0x0] =	vst.idx.add.f32.msk $0xffff, v4  }
0x1c7: {  	[tilespmem:v23+s12+$0x0] =	vst.idx.add.f32.msk $0xffff, v4  }
0x1c8: {  	v33 =	vadd.s32 v3, v33;
	[tilespmem:v22+s12+$0x0] =	vst.idx.add.f32.msk $0xffff, v4  }
0x1c9: {  	v34 =	vadd.s32 v3, v34;
	[tilespmem:v21+s12+$0x0] =	vst.idx.add.f32.msk $0xffff, v4  }
0x1ca: {  	[tilespmem:v20+s12+$0x0] =	vst.idx.add.f32.msk $0xffff, v4;
	v20 =	vadd.s32 v3, v35;
	_ =	sdelay $0x2  }
0x1cb: {  	[tilespmem:v33+s12+$0x0] =	vst.idx.add.f32.msk $0xffff, v4  }
0x1cc: {  	s20 =	simm.s32 $0x400;
	s19 =	simm.s32 $0x0;
	[tilespmem:v34+s12+$0x0] =	vst.idx.add.f32.msk $0xffff, v4  }
.LBB2_10:
0x1cd: {  	s21 =	sshra.s32 s20, $0x2;
	p1 =	sne.s32 s20, $0xFC00;
	s20 =	sadd.s32 $0x400, s20;
	[tilespmem:v20+s12+$0x0] =	vst.idx.add.f32.msk $0xffff, v4  }
0x1ce: {  	v20 =	vld [tilespmem:s21+$0x4060]  }
0x1cf: {  	v21 =	vld [tilespmem:s21+$0x4050]  }
0x1d0: {  	v22 =	vld [tilespmem:s21+$0x4040]  }
0x1d1: {  	v23 =	vld [tilespmem:s21+$0x4030]  }
0x1d2: {  	v24 =	vld [tilespmem:s21+$0x4020]  }
0x1d3: {  	v25 =	vld [tilespmem:s21+$0x4010]  }
0x1d4: {  	v26 =	vld [tilespmem:s21+$0x4000]  }
0x1d5: {  	v27 =	vld [tilespmem:s21+$0x4070]  }
0x1d6: {  	v28 =	vld [tilespmem:s21+$0x4080];
	v23 =	vadd.s32 v3, v23  }
0x1d7: {  	v22 =	vadd.s32 v3, v22;
	v29 =	vld [tilespmem:s21+$0x4090]  }
0x1d8: {  	v21 =	vadd.s32 v3, v21;
	v30 =	vld [tilespmem:s21+$0x40A0]  }
0x1d9: {  	v20 =	vadd.s32 v3, v20;
	v25 =	vadd.s32 v3, v25;
	v31 =	vld [tilespmem:s21+$0x40B0];
	v26 =	vadd.s32 v3, v26  }
0x1da: {  	v24 =	vadd.s32 v3, v24;
	v32 =	vld [tilespmem:s21+$0x40C0];
	v27 =	vadd.s32 v3, v27  }
0x1db: {  	v33 =	vld [tilespmem:s21+$0x40D0];
	v28 =	vadd.s32 v3, v28  }
0x1dc: {  	v34 =	vld [tilespmem:s21+$0x40E0];
	v29 =	vadd.s32 v3, v29  }
0x1dd: {  	v35 =	vld [tilespmem:s21+$0x40F0]  }
0x1de: {  	[tilespmem:v26+s12+$0x0] =	vst.idx.add.f32.msk $0xffff, v4  }
0x1df: {  	v26 =	vadd.s32 v3, v30;
	[tilespmem:v25+s12+$0x0] =	vst.idx.add.f32.msk $0xffff, v4  }
0x1e0: {  	v25 =	vadd.s32 v3, v31;
	[tilespmem:v24+s12+$0x0] =	vst.idx.add.f32.msk $0xffff, v4  }
0x1e1: {  	[tilespmem:v23+s12+$0x0] =	vst.idx.add.f32.msk $0xffff, v4  }
0x1e2: {  	[tilespmem:v22+s12+$0x0] =	vst.idx.add.f32.msk $0xffff, v4  }
0x1e3: {  	v22 =	vadd.s32 v3, v32;
	[tilespmem:v21+s12+$0x0] =	vst.idx.add.f32.msk $0xffff, v4  }
0x1e4: {  	[tilespmem:v20+s12+$0x0] =	vst.idx.add.f32.msk $0xffff, v4  }
0x1e5: {  	v21 =	vadd.s32 v3, v33;
	[tilespmem:v27+s12+$0x0] =	vst.idx.add.f32.msk $0xffff, v4  }
0x1e6: {  	[tilespmem:v28+s12+$0x0] =	vst.idx.add.f32.msk $0xffff, v4  }
0x1e7: {  	v23 =	vadd.s32 v3, v34;
	[tilespmem:v29+s12+$0x0] =	vst.idx.add.f32.msk $0xffff, v4  }
.Ltmp6:
0x1e8: {  	v20 =	vadd.s32 v3, v35;
	[tilespmem:v26+s12+$0x0] =	vst.idx.add.f32.msk $0xffff, v4;
	(pc) =	sbr.rel @p1 .LBB2_10-.Ltmp6, $4  }
0x1e9: {  	[tilespmem:v25+s12+$0x0] =	vst.idx.add.f32.msk $0xffff, v4  }
0x1ea: {  	[tilespmem:v22+s12+$0x0] =	vst.idx.add.f32.msk $0xffff, v4  }
0x1eb: {  	[tilespmem:v21+s12+$0x0] =	vst.idx.add.f32.msk $0xffff, v4  }
0x1ec: {  	[tilespmem:v23+s12+$0x0] =	vst.idx.add.f32.msk $0xffff, v4  }
0x1ed: {  	_ =	sdelay $0x3  }
0x1ee: {  	[tilespmem:v20+s12+$0x0] =	vst.idx.add.f32.msk $0xffff, v4;
	s20 =	simm.s32 $0x8CF0  }
0x1ef: {  	v20 =	vld [tilespmem:s20+$0xFFFFF480]  }
0x1f0: {  	v21 =	vld [tilespmem:s20+$0xFFFFF310];
	_ =	sdelay $0x1  }
0x1f1: {  	v22 =	vld [tilespmem:s20+$0xFFFFF5F0];
	_ =	sdelay $0x1  }
0x1f2: {  	v23 =	vld [tilespmem:s20+$0xFFFFF760]  }
0x1f3: {  	v20 =	vadd.f32 v20, v21  }
0x1f4: {  	v21 =	vld [tilespmem:s20+$0xFFFFF8D0]  }
0x1f5: {  	v20 =	vadd.f32 v22, v20  }
0x1f6: {  	v22 =	vld [tilespmem:s20+$0xFFFFFA40]  }
0x1f7: {  	v20 =	vadd.f32 v23, v20  }
0x1f8: {  	v23 =	vld [tilespmem:s20+$0xFFFFFBB0]  }
0x1f9: {  	v20 =	vadd.f32 v21, v20  }
0x1fa: {  	v21 =	vld [tilespmem:s20+$0xFFFFFD20]  }
0x1fb: {  	s19 =	sand.u32 $0x1F0, s19;
	v20 =	vadd.f32 v22, v20  }
0x1fc: {  	v22 =	vld [tilespmem:s19+$0x8B80]  }
0x1fd: {  	v20 =	vadd.f32 v23, v20  }
0x1fe: {  	v23 =	vld [tilespmem:s20+$0x0]  }
0x1ff: {  	v20 =	vadd.f32 v21, v20  }
0x200: {  	v21 =	vld [tilespmem:s20+$0x170]  }
0x201: {  	v20 =	vadd.f32 v22, v20  }
0x202: {  	v22 =	vld [tilespmem:s20+$0x2E0]  }
0x203: {  	v20 =	vadd.f32 v23, v20  }
0x204: {  	v23 =	vld [tilespmem:s20+$0x450]  }
0x205: {  	v20 =	vadd.f32 v21, v20  }
0x206: {  	v21 =	vld [tilespmem:s20+$0x5C0]  }
0x207: {  	v20 =	vadd.f32 v22, v20  }
0x208: {  	v22 =	vld [tilespmem:s20+$0x730]  }
0x209: {  	v20 =	vadd.f32 v23, v20  }
0x20a: {  	v23 =	vld [tilespmem:s20+$0x8A0]  }
0x20b: {  	v20 =	vadd.f32 v21, v20;
	_ =	sdelay $0x1  }
0x20c: {  	v20 =	vadd.f32 v22, v20;
	_ =	sdelay $0x1  }
0x20d: {  	v20 =	vadd.f32 v23, v20  }
0x20e: {  	s19 =	simm.s32 $0x9700  }
0x20f: {  	s20 =	simm.s32 $0x8D00;
	[tilespmem:s19+$0x0] =	vst v20  }
0x210: {  	v20 =	vld [tilespmem:s20+$0xFFFFF480]  }
0x211: {  	s21 =	simm.s32 $0x10;
	s22 =	simm.s32 $0x20;
	v21 =	vld [tilespmem:s20+$0xFFFFF310]  }
.LBB2_12:
0x212: {  	p1 =	sne.s32 s22, $0x160  }
0x213: {  	v22 =	vld [tilespmem:s20+$0xFFFFF5F0];
	_ =	sdelay $0x1  }
0x214: {  	v23 =	vld [tilespmem:s20+$0xFFFFF760]  }
0x215: {  	v20 =	vadd.f32 v20, v21  }
0x216: {  	v21 =	vld [tilespmem:s20+$0xFFFFF8D0]  }
0x217: {  	v20 =	vadd.f32 v22, v20  }
0x218: {  	v22 =	vld [tilespmem:s20+$0xFFFFFA40]  }
0x219: {  	v20 =	vadd.f32 v23, v20  }
0x21a: {  	v23 =	vld [tilespmem:s20+$0xFFFFFBB0]  }
0x21b: {  	v20 =	vadd.f32 v21, v20  }
0x21c: {  	v21 =	vld [tilespmem:s20+$0xFFFFFD20]  }
0x21d: {  	s23 =	sand.u32 $0x1F0, s21;
	s21 =	smov.u32 s22;
	v20 =	vadd.f32 v22, v20  }
0x21e: {  	v22 =	vld [tilespmem:s23+$0x8B80]  }
0x21f: {  	v20 =	vadd.f32 v23, v20  }
0x220: {  	v23 =	vld [tilespmem:s20+$0x0]  }
0x221: {  	v20 =	vadd.f32 v21, v20  }
0x222: {  	v21 =	vld [tilespmem:s20+$0x170]  }
0x223: {  	v20 =	vadd.f32 v22, v20  }
0x224: {  	v22 =	vld [tilespmem:s20+$0x2E0]  }
0x225: {  	v20 =	vadd.f32 v23, v20  }
0x226: {  	v23 =	vld [tilespmem:s20+$0x450]  }
0x227: {  	v20 =	vadd.f32 v21, v20  }
0x228: {  	v21 =	vld [tilespmem:s20+$0x5C0]  }
0x229: {  	v20 =	vadd.f32 v22, v20  }
0x22a: {  	v22 =	vld [tilespmem:s20+$0x730]  }
0x22b: {  	v20 =	vadd.f32 v23, v20  }
0x22c: {  	v23 =	vld [tilespmem:s20+$0x8A0]  }
0x22d: {  	v20 =	vadd.f32 v21, v20;
	_ =	sdelay $0x1  }
0x22e: {  	v20 =	vadd.f32 v22, v20;
	_ =	sdelay $0x1  }
.Ltmp7:
0x22f: {  	v20 =	vadd.f32 v23, v20;
	(pc) =	sbr.rel @p1 .LBB2_12-.Ltmp7, $4  }
0x230: {  	s19 =	sadd.s32 $0x10, s19  }
0x231: {  	s20 =	sadd.s32 $0x10, s20;
	[tilespmem:s19+$0x0] =	vst v20  }
0x232: {  	v20 =	vld [tilespmem:s20+$0xFFFFF480]  }
0x233: {  	s22 =	sadd.s32 $0x10, s22;
	v21 =	vld [tilespmem:s20+$0xFFFFF310]  }
0x234: {  	_ = 	snop  }
0x235: {  	v22 =	vld [tilespmem:s20+$0xFFFFF5F0];
	_ =	sdelay $0x1  }
0x236: {  	v23 =	vld [tilespmem:s20+$0xFFFFF760]  }
0x237: {  	v20 =	vadd.f32 v20, v21  }
0x238: {  	v24 =	vld [tilespmem:s20+$0xFFFFF8D0]  }
0x239: {  	v20 =	vadd.f32 v22, v20  }
0x23a: {  	v25 =	vld [tilespmem:s20+$0xFFFFFA40]  }
0x23b: {  	v20 =	vadd.f32 v23, v20  }
0x23c: {  	v26 =	vld [tilespmem:s20+$0xFFFFFBB0]  }
0x23d: {  	v20 =	vadd.f32 v24, v20  }
0x23e: {  	v27 =	vld [tilespmem:s20+$0xFFFFFD20]  }
0x23f: {  	s21 =	sand.u32 $0x1F0, s21;
	v20 =	vadd.f32 v25, v20  }
0x240: {  	v28 =	vld [tilespmem:s21+$0x8B80]  }
0x241: {  	v20 =	vadd.f32 v26, v20  }
0x242: {  	v29 =	vld [tilespmem:s20+$0x0]  }
0x243: {  	v20 =	vadd.f32 v27, v20  }
0x244: {  	v30 =	vld [tilespmem:s20+$0x170]  }
0x245: {  	v20 =	vadd.f32 v28, v20  }
0x246: {  	v31 =	vld [tilespmem:s20+$0x2E0]  }
0x247: {  	v20 =	vadd.f32 v29, v20  }
0x248: {  	v32 =	vld [tilespmem:s20+$0x450]  }
0x249: {  	v20 =	vadd.f32 v30, v20  }
0x24a: {  	v33 =	vld [tilespmem:s20+$0x5C0]  }
0x24b: {  	v20 =	vadd.f32 v31, v20  }
0x24c: {  	v34 =	vld [tilespmem:s20+$0x730]  }
0x24d: {  	v20 =	vadd.f32 v32, v20  }
0x24e: {  	v35 =	vld [tilespmem:s20+$0x8A0]  }
0x24f: {  	v20 =	vadd.f32 v33, v20;
	_ =	sdelay $0x1  }
0x250: {  	v20 =	vadd.f32 v34, v20;
	_ =	sdelay $0x1  }
0x251: {  	v20 =	vadd.f32 v35, v20  }
0x252: {  	s19 =	sadd.s32 $0x10, s19  }
0x253: {  	[tilespmem:s19+$0x0] =	vst v20  }
0x254: {  	[spmem:s7] =	stream.linear.scatter [tilespmem:s14], [sflag:$0x3], $0x170, $0x38;
	[tilespmem:$0xA070] =	vst v63  }
.Ltmp8:
0x255: {  	_ =	swait.ge [sflag:s15], $0x170;
	(pc) =	sbr.rel @p0 .LBB2_17-.Ltmp8, $3  }
0x256: {  	[sflag:s15] =	ssyncset.done $0x0  }
0x257: {  	[sflag:s15] =	ssyncadd.s32 $0xFFFFFE90  }
0x258: {  	[bflag:$0x0] =	sbarrier.arrive $0xFFFF;
	_ =	sdelay $0x1  }
0x259: {  	[tilespmem:s16], [sflag:$0x3] =	stream.linear.gather [spmem:s7], $0x5C0, $0x38;
	[tilespmem:$0xA070] =	vst v63  }
0x25a: {  	_ =	swait.ge [sflag:s15], $0x5C0  }
0x25b: {  	[sflag:s15] =	ssyncset.done $0x0  }
0x25c: {  	s19 =	simm.s32 $0x0;
	[sflag:s15] =	ssyncadd.s32 $0xFFFFFA40  }
0x25d: {  	v20 =	vld [tilespmem:s19+$0x9880]  }
0x25e: {  	v21 =	vld [tilespmem:s19+$0x99F0];
	_ =	sdelay $0x1  }
0x25f: {  	v22 =	vld [tilespmem:s19+$0x9B60];
	_ =	sdelay $0x2  }
0x260: {  	s20 =	simm.s32 $0x10;
	v23 =	vld [tilespmem:s19+$0x9CD0];
	v21 =	vadd.f32 v21, v20  }
0x261: {  	v20 =	vld [tilespmem:s20+$0x9880]  }
0x262: {  	v24 =	vadd.f32 v22, v21;
	v22 =	vld [tilespmem:s20+$0x99F0];
	_ =	sdelay $0x1  }
0x263: {  	v21 =	vld [tilespmem:s20+$0x9B60]  }
0x264: {  	s21 =	simm.s32 $0x80;
	v23 =	vadd.f32 v23, v24  }
.LBB2_15:
0x265: {  	s22 =	sshra.s32 s21, $0x2;
	v24 =	vld [tilespmem:s20+$0x9CD0];
	p1 =	sne.s32 s21, $0x580  }
.Ltmp9:
0x266: {  	s21 =	sadd.s32 $0x40, s21;
	v25 =	vadd.f32 v22, v20;
	v20 =	vld [tilespmem:s22+$0x9880];
	[tilespmem:s19+$0x9700] =	vst v23;
	(pc) =	sbr.rel @p1 .LBB2_15-.Ltmp9, $4  }
0x267: {  	s19 =	smov.u32 s20;
	s20 =	smov.u32 s22;
	v22 =	vld [tilespmem:s22+$0x99F0]  }
0x268: {  	v23 =	vadd.f32 v21, v25  }
0x269: {  	v21 =	vld [tilespmem:s20+$0x9B60]  }
0x26a: {  	v23 =	vadd.f32 v24, v23  }
.Ltmp10:
0x26b: {  	_ = 	snop;
	(pc) =	sbr.rel .LBB2_16-.Ltmp10, $1  }
0x26c: {  	_ =	sdelay $0x3  }
.LBB2_18:
0x26d: {  	_ =	sfence.sel $0x180000  }
0x26e: {  	[bflag:$0x0] =	sbarrier.arrive $0xFFFF  }
0x26f: {  	p0 =	sne.s32 s1, $0x0;
	_ =	strace $0x90000047  }
0x270: {  	s0 =	sadd.s32 @!p0 $0x100000, s0;
	[bflag:$0x2] =	sbarrier.arrive $0xFFFF  }
0x271: {  	[sflag:s0] =	ssyncadd.tile.s32 @!p0 $0x1;
	_ =	shalt  }
.Lfunc_end2:
_tile_overlayer_lowered:
.L_overlay_start_2:
0x272: {  	(tag) =	ssettag $0x2  }
0x273: {  	s0 =	rddreg [dreg:$0x0];
	s2 =	stileid.u32  }
0x274: {  	s1 =	rddreg [dreg:$0x1];
	p0 =	sne.s32 s2, $0x0  }
0x275: {  	s3 =	rddreg [dreg:$0x2];
	[bflag:$0x3] =	sbarrier.arrive $0xFFFF;
	s2 =	simm.s32 @!p0 $0x1C03  }
0x276: {  	[timem:s3], [sflag:s2] =	dma.local @!p0 [hbm:s0], s1  }
0x277: {  	s0 =	simm.s32 @!p0 $0x3  }
0x278: {  	_ =	swait.ge @!p0 [sflag:s0], s1  }
0x279: {  	s1 =	ssub.s32 @!p0 $0x0, s1;
	[sflag:s0] =	ssyncset.done @!p0 $0x0  }
0x27a: {  	[sflag:s0] =	ssyncadd.s32 @!p0 s1  }
0x27b: {  	[bflag:$0x3] =	sbarrier.arrive $0xFFFF  }
0x27c: {  	_ =	shalt  }

</sc_bundles>
